<compile_context>
chip_gen: v7x
topology: tpu7x:2x2x1
jax: 0.10.2.dev20260603
libtpu: 0.0.44.dev20260713+nightly
codegen_flags: <defaults>
</compile_context>

<pallas_src>
import functools

import jax
import jax.numpy as jnp
from jax import lax
from jax.experimental import pallas as pl
from jax.experimental.pallas import tpu as pltpu
from jax.experimental.pallas import tpu_sc as plsc

N = 100000
C = 256
G = 64
H = 16
NW = 32
RPW = N // NW
CHUNK = 125
NCHUNK = RPW // CHUNK
BPAD = 160

_mesh = plsc.VectorSubcoreMesh(core_axis_name="c", subcore_axis_name="s")

f32 = jnp.float32
i32 = jnp.int32


@functools.partial(
    pl.kernel,
    out_type=(
        jax.ShapeDtypeStruct((NW, G * C), f32),
        jax.ShapeDtypeStruct((NW, G * 16), f32),
    ),
    mesh=_mesh,
    scratch_types=[
        pltpu.VMEM((CHUNK * C,), f32),
        pltpu.VMEM((BPAD,), i32),
        pltpu.VMEM((G * C,), f32),
        pltpu.VMEM((G * 16,), f32),
    ],
)
def _segsum(x_hbm, batch_hbm, sums_out, cnt_out, xbuf, bbuf, accs, accc):
    wid = lax.axis_index("s") * 2 + lax.axis_index("c")
    zeros = jnp.zeros((16,), f32)
    ones = jnp.ones((16,), f32)

    def _zs(k, carry):
        accs[pl.ds(k * 16, 16)] = zeros
        return carry

    lax.fori_loop(0, G * C // 16, _zs, 0)

    def _zc(k, carry):
        accc[pl.ds(k * 16, 16)] = zeros
        return carry

    lax.fori_loop(0, G, _zc, 0)

    row0 = wid * RPW

    def chunk_body(cix, carry):
        g0 = row0 + cix * CHUNK
        x0 = pl.multiple_of(g0 * C, 8)
        pltpu.sync_copy(x_hbm.at[pl.ds(x0, CHUNK * C)], xbuf)
        a0 = pl.multiple_of((g0 // 8) * 8, 8)
        off = g0 - a0
        pltpu.sync_copy(batch_hbm.at[pl.ds(a0, BPAD)], bbuf)

        def row_body(i, rc):
            seg = bbuf[pl.ds(off + i, 16)][0]
            bs = seg * C
            xb = i * C
            for j in range(16):
                xv = xbuf[pl.ds(xb + j * 16, 16)]
                plsc.addupdate(accs.at[pl.ds(bs + j * 16, 16)], xv)
            plsc.addupdate(accc.at[pl.ds(seg * 16, 16)], ones)
            return rc

        lax.fori_loop(0, CHUNK, row_body, 0)
        return carry

    lax.fori_loop(0, NCHUNK, chunk_body, 0)
    pltpu.sync_copy(accs, sums_out.at[wid])
    pltpu.sync_copy(accc, cnt_out.at[wid])


def _mlp_body(sp_ref, cp_ref, w1_ref, w2_ref, scale_ref, offs_ref):
    sums = jnp.sum(sp_ref[...], axis=0)
    cnt = jnp.sum(cp_ref[...], axis=0)
    counts = cnt[:, 0:1]
    inv = 1.0 / jnp.maximum(counts, 1.0)
    mean = sums * inv
    h = lax.dot_general(mean, w1_ref[...], (((1,), (1,)), ((), ())),
                        preferred_element_type=f32)
    h = jnp.maximum(h, 0.0)
    logits = lax.dot_general(h, w2_ref[...], (((1,), (1,)), ((), ())),
                             preferred_element_type=f32)
    scale_ref[...] = 1.0 / (1.0 + jnp.exp(-logits))
    ii = lax.broadcasted_iota(i32, (G, 128), 0)
    jj = lax.broadcasted_iota(i32, (G, 128), 1)
    contrib = jnp.where(ii < jj, counts, 0.0)
    offs = jnp.sum(contrib, axis=0, keepdims=True)
    offs_ref[...] = jnp.broadcast_to(offs, (8, 128)).astype(i32)


def _mlp(sums_p, cnt_p, W1, W2):
    return pl.pallas_call(
        _mlp_body,
        out_shape=(
            jax.ShapeDtypeStruct((G, C), f32),
            jax.ShapeDtypeStruct((8, 128), i32),
        ),
    )(sums_p, cnt_p, W1, W2)


@functools.partial(
    pl.kernel,
    out_type=jax.ShapeDtypeStruct((N * C,), f32),
    mesh=_mesh,
    scratch_types=[
        pltpu.VMEM((CHUNK * C,), f32),
        pltpu.VMEM((G * C,), f32),
        pltpu.VMEM((128,), i32),
    ],
)
def _scale_mul(x_hbm, scale_hbm, offs_hbm, out_hbm, buf, sc_v, offs_v):
    wid = lax.axis_index("s") * 2 + lax.axis_index("c")
    pltpu.sync_copy(scale_hbm, sc_v)
    pltpu.sync_copy(offs_hbm.at[0], offs_v)
    row0 = wid * RPW

    def chunk_body(cix, carry):
        r0 = row0 + cix * CHUNK
        x0 = pl.multiple_of(r0 * C, 8)
        pltpu.sync_copy(x_hbm.at[pl.ds(x0, CHUNK * C)], buf)

        def seg_body(g, sc):
            ov = offs_v[pl.ds(g, 16)]
            lo = jnp.maximum(ov[0], r0)
            hi = jnp.minimum(ov[1], r0 + CHUNK)

            @pl.when(lo < hi)
            def _():
                sb = g * C
                svs = [sc_v[pl.ds(sb + j * 16, 16)] for j in range(16)]

                def row_body(i, rc):
                    b = i * C
                    for j in range(16):
                        s = pl.ds(b + j * 16, 16)
                        buf[s] = buf[s] * svs[j]
                    return rc

                lax.fori_loop(lo - r0, hi - r0, row_body, 0)

            return sc

        lax.fori_loop(0, G, seg_body, 0)
        pltpu.sync_copy(buf, out_hbm.at[pl.ds(x0, CHUNK * C)])
        return carry

    lax.fori_loop(0, NCHUNK, chunk_body, 0)


def kernel(x, batch, W1, W2):
    xf = x.reshape(-1)
    b32 = batch.astype(i32)
    bpad = jnp.concatenate([b32, jnp.zeros((96,), i32)])
    sums_p, cnt_p = _segsum(xf, bpad)
    scale, offs = _mlp(sums_p.reshape(NW, G, C), cnt_p.reshape(NW, G, 16), W1, W2)
    out = _scale_mul(xf, scale.reshape(-1), offs)
    return out.reshape(N, C)

# --- scband reference (transcript-rebuilt; emitter-appended) ---
"""Pipeline reference for scband-graph-selayer-31860067402236 (READ-ONLY COPY).

The authoritative reference and input builder live on the scoring server;
editing this copy changes nothing except your own understanding.
"""

import jax, jax.numpy as jnp
import numpy as np

N = 100000
C = 256
R = 16
G = 64

def setup_inputs(seed: int = 0) -> dict:
    key = jax.random.key(seed)
    k1, k2, k3, k4 = jax.random.split(key, 4)
    x = jax.random.normal(k1, (N, C), dtype=jnp.float32)
    batch = jnp.sort(jax.random.randint(k2, (N,), 0, G, dtype=jnp.int64))
    # nn.Linear(C, C//R, bias=False): weight shape [C//R, C]
    W1 = jax.random.normal(k3, (C // R, C), dtype=jnp.float32) * 0.05
    # nn.Linear(C//R, C, bias=False): weight shape [C, C//R]
    W2 = jax.random.normal(k4, (C, C // R), dtype=jnp.float32) * 0.05
    return {"x": x, "batch": batch, "W1": W1, "W2": W2}

def reference(x, batch, W1, W2):
    # global mean pool per graph (scatter-add + count)
    sums = jax.ops.segment_sum(x, batch, num_segments=G)
    counts = jnp.bincount(batch, length=G)
    safe_counts = jnp.maximum(counts, 1).astype(x.dtype)
    mean_pool = sums / safe_counts[:, None]
    # squeeze-excite FC: Linear -> ReLU -> Linear -> Sigmoid
    h = jnp.maximum(mean_pool @ W1.T, 0.0)
    scale = jax.nn.sigmoid(h @ W2.T)
    # repeat_interleave(scale, bincount(batch)) with sorted batch == gather scale[batch]
    scale_per_node = jnp.take(scale, batch, axis=0)
    return x * scale_per_node

if __name__ == "__main__":
    import jax
    _d = setup_inputs()
    print(jax.jit(kernel)(*tuple(_d.values())))

</pallas_src>

<mosaic_0001>
#map = affine_map<(d0, d1) -> (0)>
#map1 = affine_map<(d0, d1) -> (0, 0)>
module attributes {stable_mosaic.version = 14 : i64} {
  func.func @_scale_mul(%arg0: i32, %arg1: i32, %arg2: memref<25600000xf32, #tpu.memory_space<hbm>>, %arg3: memref<16384xf32, #tpu.memory_space<hbm>>, %arg4: memref<8x128xi32, #tpu.memory_space<hbm>>, %arg5: memref<25600000xf32, #tpu.memory_space<hbm>>, %arg6: memref<32000xf32, #tpu.memory_space<vmem>>, %arg7: memref<16384xf32, #tpu.memory_space<vmem>>, %arg8: memref<128xi32, #tpu.memory_space<vmem>>) attributes {dimension_semantics = [#tpu.dimension_semantics<core_parallel>, #tpu.dimension_semantics<subcore_parallel>], iteration_bounds = array<i64: 2, 16>, scalar_prefetch = 0 : i64, scratch_operands = 3 : i64, tpu.core_type = #tpu.core_type<sc_vector_subcore>, window_params = [{transform_indices = #map}, {transform_indices = #map}, {transform_indices = #map1}, {transform_indices = #map}]} {
    %mul3A = arith.constant 2 : i32
    %mul3A_0 = arith.muli %arg1, %mul3A : i32
    %add3A = arith.addi %mul3A_0, %arg0 : i32
    "tpu.region"() ({
      %run_scoped3A_8 = tpu.sem_alloc : memref<!tpu.dma_semaphore, #tpu.memory_space<semaphore_mem>>
      tpu.enqueue_dma source(%arg3 : memref<16384xf32, #tpu.memory_space<hbm>>) target(%arg7 : memref<16384xf32, #tpu.memory_space<vmem>>) target_semaphore(%run_scoped3A_8 : memref<!tpu.dma_semaphore, #tpu.memory_space<semaphore_mem>>)
      tpu.wait_dma2 semaphore(%run_scoped3A_8 : memref<!tpu.dma_semaphore, #tpu.memory_space<semaphore_mem>>) src(%arg3 : memref<16384xf32, #tpu.memory_space<hbm>>) dst(%arg7 : memref<16384xf32, #tpu.memory_space<vmem>>)
      tpu.yield
    }) : () -> ()
    %run_scoped3A = arith.constant 0 : i32
    "tpu.region"() ({
      %run_scoped3A_8 = tpu.sem_alloc : memref<!tpu.dma_semaphore, #tpu.memory_space<semaphore_mem>>
      %dma_start3A = arith.constant 0 : i32
      %dma_start3A_9 = tpu.memref_slice %arg4[%run_scoped3A, %dma_start3A] : memref<8x128xi32, #tpu.memory_space<hbm>> -> memref<1x128xi32, #tpu.memory_space<hbm>>
      %dma_start3A_10 = tpu.memref_squeeze %dma_start3A_9 : memref<1x128xi32, #tpu.memory_space<hbm>> -> memref<128xi32, #tpu.memory_space<hbm>>
      %dma_start3A_11 = arith.constant 0 : i32
      %dma_start3A_12 = tpu.memref_slice %arg4[%run_scoped3A, %dma_start3A_11] : memref<8x128xi32, #tpu.memory_space<hbm>> -> memref<1x128xi32, #tpu.memory_space<hbm>>
      %dma_start3A_13 = tpu.memref_squeeze %dma_start3A_12 : memref<1x128xi32, #tpu.memory_space<hbm>> -> memref<128xi32, #tpu.memory_space<hbm>>
      tpu.enqueue_dma source(%dma_start3A_13 : memref<128xi32, #tpu.memory_space<hbm>>) target(%arg8 : memref<128xi32, #tpu.memory_space<vmem>>) target_semaphore(%run_scoped3A_8 : memref<!tpu.dma_semaphore, #tpu.memory_space<semaphore_mem>>)
      %dma_wait3A = arith.constant 0 : i32
      %dma_wait3A_14 = tpu.memref_slice %arg4[%run_scoped3A, %dma_wait3A] : memref<8x128xi32, #tpu.memory_space<hbm>> -> memref<1x128xi32, #tpu.memory_space<hbm>>
      %dma_wait3A_15 = tpu.memref_squeeze %dma_wait3A_14 : memref<1x128xi32, #tpu.memory_space<hbm>> -> memref<128xi32, #tpu.memory_space<hbm>>
      %dma_wait3A_16 = arith.constant 0 : i32
      %dma_wait3A_17 = tpu.memref_slice %arg4[%run_scoped3A, %dma_wait3A_16] : memref<8x128xi32, #tpu.memory_space<hbm>> -> memref<1x128xi32, #tpu.memory_space<hbm>>
      %dma_wait3A_18 = tpu.memref_squeeze %dma_wait3A_17 : memref<1x128xi32, #tpu.memory_space<hbm>> -> memref<128xi32, #tpu.memory_space<hbm>>
      tpu.wait_dma2 semaphore(%run_scoped3A_8 : memref<!tpu.dma_semaphore, #tpu.memory_space<semaphore_mem>>) src(%dma_wait3A_18 : memref<128xi32, #tpu.memory_space<hbm>>) dst(%arg8 : memref<128xi32, #tpu.memory_space<vmem>>)
      tpu.yield
    }) : () -> ()
    %mul3A_1 = arith.constant 3125 : i32
    %mul3A_2 = arith.muli %add3A, %mul3A_1 : i32
    %scan3A = arith.constant 0 : i32
    %scan3A_3 = arith.constant 0 : i32
    %scan3A_4 = arith.constant 25 : i32
    %scan3A_5 = arith.addi %scan3A_3, %scan3A_4 : i32
    %scan3A_6 = arith.constant 1 : i32
    scf.for %scan3A_8 = %scan3A_3 to %scan3A_5 step %scan3A_6  : i32 {
      %mul3A_9 = arith.constant 125 : i32
      %mul3A_10 = arith.muli %scan3A_8, %mul3A_9 : i32
      %add3A_11 = arith.addi %mul3A_2, %mul3A_10 : i32
      %mul3A_12 = arith.constant 256 : i32
      %mul3A_13 = arith.muli %add3A_11, %mul3A_12 : i32
      %multiple_of3A = tpu.assume_multiple %mul3A_13, 8 : i32
      "tpu.region"() ({
        %run_scoped3A_20 = tpu.sem_alloc : memref<!tpu.dma_semaphore, #tpu.memory_space<semaphore_mem>>
        %dma_start3A = tpu.memref_slice %arg2[%multiple_of3A] : memref<25600000xf32, #tpu.memory_space<hbm>> -> memref<32000xf32, #tpu.memory_space<hbm>>
        %dma_start3A_21 = tpu.memref_slice %arg2[%multiple_of3A] : memref<25600000xf32, #tpu.memory_space<hbm>> -> memref<32000xf32, #tpu.memory_space<hbm>>
        tpu.enqueue_dma source(%dma_start3A_21 : memref<32000xf32, #tpu.memory_space<hbm>>) target(%arg6 : memref<32000xf32, #tpu.memory_space<vmem>>) target_semaphore(%run_scoped3A_20 : memref<!tpu.dma_semaphore, #tpu.memory_space<semaphore_mem>>)
        %dma_wait3A = tpu.memref_slice %arg2[%multiple_of3A] : memref<25600000xf32, #tpu.memory_space<hbm>> -> memref<32000xf32, #tpu.memory_space<hbm>>
        %dma_wait3A_22 = tpu.memref_slice %arg2[%multiple_of3A] : memref<25600000xf32, #tpu.memory_space<hbm>> -> memref<32000xf32, #tpu.memory_space<hbm>>
        tpu.wait_dma2 semaphore(%run_scoped3A_20 : memref<!tpu.dma_semaphore, #tpu.memory_space<semaphore_mem>>) src(%dma_wait3A_22 : memref<32000xf32, #tpu.memory_space<hbm>>) dst(%arg6 : memref<32000xf32, #tpu.memory_space<vmem>>)
        tpu.yield
      }) : () -> ()
      %scan3A_14 = arith.constant 0 : i32
      %scan3A_15 = arith.constant 0 : i32
      %scan3A_16 = arith.constant 64 : i32
      %scan3A_17 = arith.addi %scan3A_15, %scan3A_16 : i32
      %scan3A_18 = arith.constant 1 : i32
      scf.for %scan3A_20 = %scan3A_15 to %scan3A_17 step %scan3A_18  : i32 {
        %get3A = arith.index_cast %scan3A_20 : i32 to index
        %get3A_21 = tpu.vector_load %arg8[%get3A] {strides = array<i32>} : memref<128xi32, #tpu.memory_space<vmem>>, vector<16xi32>,
        %get3A_22 = vector.shape_cast %get3A_21 : vector<16xi32> to vector<16xi32>
        %slice3A = vector.extract_strided_slice %get3A_22 {offsets = [0], sizes = [1], strides = [1]} : vector<16xi32> to vector<1xi32>
        %squeeze3A = vector.extract %slice3A[0] : i32 from vector<1xi32>
        %max3A = arith.maxsi %squeeze3A, %add3A_11 : i32
        %slice3A_23 = vector.extract_strided_slice %get3A_22 {offsets = [1], sizes = [1], strides = [1]} : vector<16xi32> to vector<1xi32>
        %squeeze3A_24 = vector.extract %slice3A_23[0] : i32 from vector<1xi32>
        %add3A_25 = arith.constant 125 : i32
        %add3A_26 = arith.addi %add3A_11, %add3A_25 : i32
        %min3A = arith.minsi %squeeze3A_24, %add3A_26 : i32
        %lt3A = arith.cmpi slt, %max3A, %min3A : i32
        %convert_element_type3A = arith.extui %lt3A : i1 to i32
        %cond3A = arith.constant 0 : i32
        %cond3A_27 = arith.cmpi ne, %convert_element_type3A, %cond3A : i32
        scf.if %cond3A_27 {
          %mul3A_28 = arith.constant 256 : i32
          %mul3A_29 = arith.muli %scan3A_20, %mul3A_28 : i32
          %add3A_30 = arith.constant 0 : i32
          %add3A_31 = arith.addi %mul3A_29, %add3A_30 : i32
          %get3A_32 = arith.index_cast %add3A_31 : i32 to index
          %get3A_33 = tpu.vector_load %arg7[%get3A_32] {strides = array<i32>} : memref<16384xf32, #tpu.memory_space<vmem>>, vector<16xf32>,
          %get3A_34 = vector.shape_cast %get3A_33 : vector<16xf32> to vector<16xf32>
          %add3A_35 = arith.constant 16 : i32
          %add3A_36 = arith.addi %mul3A_29, %add3A_35 : i32
          %get3A_37 = arith.index_cast %add3A_36 : i32 to index
          %get3A_38 = tpu.vector_load %arg7[%get3A_37] {strides = array<i32>} : memref<16384xf32, #tpu.memory_space<vmem>>, vector<16xf32>,
          %get3A_39 = vector.shape_cast %get3A_38 : vector<16xf32> to vector<16xf32>
          %add3A_40 = arith.constant 32 : i32
          %add3A_41 = arith.addi %mul3A_29, %add3A_40 : i32
          %get3A_42 = arith.index_cast %add3A_41 : i32 to index
          %get3A_43 = tpu.vector_load %arg7[%get3A_42] {strides = array<i32>} : memref<16384xf32, #tpu.memory_space<vmem>>, vector<16xf32>,
          %get3A_44 = vector.shape_cast %get3A_43 : vector<16xf32> to vector<16xf32>
          %add3A_45 = arith.constant 48 : i32
          %add3A_46 = arith.addi %mul3A_29, %add3A_45 : i32
          %get3A_47 = arith.index_cast %add3A_46 : i32 to index
          %get3A_48 = tpu.vector_load %arg7[%get3A_47] {strides = array<i32>} : memref<16384xf32, #tpu.memory_space<vmem>>, vector<16xf32>,
          %get3A_49 = vector.shape_cast %get3A_48 : vector<16xf32> to vector<16xf32>
          %add3A_50 = arith.constant 64 : i32
          %add3A_51 = arith.addi %mul3A_29, %add3A_50 : i32
          %get3A_52 = arith.index_cast %add3A_51 : i32 to index
          %get3A_53 = tpu.vector_load %arg7[%get3A_52] {strides = array<i32>} : memref<16384xf32, #tpu.memory_space<vmem>>, vector<16xf32>,
          %get3A_54 = vector.shape_cast %get3A_53 : vector<16xf32> to vector<16xf32>
          %add3A_55 = arith.constant 80 : i32
          %add3A_56 = arith.addi %mul3A_29, %add3A_55 : i32
          %get3A_57 = arith.index_cast %add3A_56 : i32 to index
          %get3A_58 = tpu.vector_load %arg7[%get3A_57] {strides = array<i32>} : memref<16384xf32, #tpu.memory_space<vmem>>, vector<16xf32>,
          %get3A_59 = vector.shape_cast %get3A_58 : vector<16xf32> to vector<16xf32>
          %add3A_60 = arith.constant 96 : i32
          %add3A_61 = arith.addi %mul3A_29, %add3A_60 : i32
          %get3A_62 = arith.index_cast %add3A_61 : i32 to index
          %get3A_63 = tpu.vector_load %arg7[%get3A_62] {strides = array<i32>} : memref<16384xf32, #tpu.memory_space<vmem>>, vector<16xf32>,
          %get3A_64 = vector.shape_cast %get3A_63 : vector<16xf32> to vector<16xf32>
          %add3A_65 = arith.constant 112 : i32
          %add3A_66 = arith.addi %mul3A_29, %add3A_65 : i32
          %get3A_67 = arith.index_cast %add3A_66 : i32 to index
          %get3A_68 = tpu.vector_load %arg7[%get3A_67] {strides = array<i32>} : memref<16384xf32, #tpu.memory_space<vmem>>, vector<16xf32>,
          %get3A_69 = vector.shape_cast %get3A_68 : vector<16xf32> to vector<16xf32>
          %add3A_70 = arith.constant 128 : i32
          %add3A_71 = arith.addi %mul3A_29, %add3A_70 : i32
          %get3A_72 = arith.index_cast %add3A_71 : i32 to index
          %get3A_73 = tpu.vector_load %arg7[%get3A_72] {strides = array<i32>} : memref<16384xf32, #tpu.memory_space<vmem>>, vector<16xf32>,
          %get3A_74 = vector.shape_cast %get3A_73 : vector<16xf32> to vector<16xf32>
          %add3A_75 = arith.constant 144 : i32
          %add3A_76 = arith.addi %mul3A_29, %add3A_75 : i32
          %get3A_77 = arith.index_cast %add3A_76 : i32 to index
          %get3A_78 = tpu.vector_load %arg7[%get3A_77] {strides = array<i32>} : memref<16384xf32, #tpu.memory_space<vmem>>, vector<16xf32>,
          %get3A_79 = vector.shape_cast %get3A_78 : vector<16xf32> to vector<16xf32>
          %add3A_80 = arith.constant 160 : i32
          %add3A_81 = arith.addi %mul3A_29, %add3A_80 : i32
          %get3A_82 = arith.index_cast %add3A_81 : i32 to index
          %get3A_83 = tpu.vector_load %arg7[%get3A_82] {strides = array<i32>} : memref<16384xf32, #tpu.memory_space<vmem>>, vector<16xf32>,
          %get3A_84 = vector.shape_cast %get3A_83 : vector<16xf32> to vector<16xf32>
          %add3A_85 = arith.constant 176 : i32
          %add3A_86 = arith.addi %mul3A_29, %add3A_85 : i32
          %get3A_87 = arith.index_cast %add3A_86 : i32 to index
          %get3A_88 = tpu.vector_load %arg7[%get3A_87] {strides = array<i32>} : memref<16384xf32, #tpu.memory_space<vmem>>, vector<16xf32>,
          %get3A_89 = vector.shape_cast %get3A_88 : vector<16xf32> to vector<16xf32>
          %add3A_90 = arith.constant 192 : i32
          %add3A_91 = arith.addi %mul3A_29, %add3A_90 : i32
          %get3A_92 = arith.index_cast %add3A_91 : i32 to index
          %get3A_93 = tpu.vector_load %arg7[%get3A_92] {strides = array<i32>} : memref<16384xf32, #tpu.memory_space<vmem>>, vector<16xf32>,
          %get3A_94 = vector.shape_cast %get3A_93 : vector<16xf32> to vector<16xf32>
          %add3A_95 = arith.constant 208 : i32
          %add3A_96 = arith.addi %mul3A_29, %add3A_95 : i32
          %get3A_97 = arith.index_cast %add3A_96 : i32 to index
          %get3A_98 = tpu.vector_load %arg7[%get3A_97] {strides = array<i32>} : memref<16384xf32, #tpu.memory_space<vmem>>, vector<16xf32>,
          %get3A_99 = vector.shape_cast %get3A_98 : vector<16xf32> to vector<16xf32>
          %add3A_100 = arith.constant 224 : i32
          %add3A_101 = arith.addi %mul3A_29, %add3A_100 : i32
          %get3A_102 = arith.index_cast %add3A_101 : i32 to index
          %get3A_103 = tpu.vector_load %arg7[%get3A_102] {strides = array<i32>} : memref<16384xf32, #tpu.memory_space<vmem>>, vector<16xf32>,
          %get3A_104 = vector.shape_cast %get3A_103 : vector<16xf32> to vector<16xf32>
          %add3A_105 = arith.constant 240 : i32
          %add3A_106 = arith.addi %mul3A_29, %add3A_105 : i32
          %get3A_107 = arith.index_cast %add3A_106 : i32 to index
          %get3A_108 = tpu.vector_load %arg7[%get3A_107] {strides = array<i32>} : memref<16384xf32, #tpu.memory_space<vmem>>, vector<16xf32>,
          %get3A_109 = vector.shape_cast %get3A_108 : vector<16xf32> to vector<16xf32>
          %sub3A = arith.subi %max3A, %add3A_11 : i32
          %sub3A_110 = arith.subi %min3A, %add3A_11 : i32
          %while3A = arith.constant 0 : i32
          %while3A_111 = arith.subi %sub3A_110, %sub3A : i32
          %while3A_112 = arith.addi %sub3A, %while3A_111 : i32
          %while3A_113 = arith.constant 1 : i32
          %while3A_114 = arith.divsi %while3A_111, %while3A_113 : i32
          %while3A_115 = arith.muli %while3A_114, %while3A_113 : i32
          %while3A_116 = arith.addi %sub3A, %while3A_115 : i32
          %while3A_117 = arith.constant 1 : i32
          scf.for %while3A_119 = %sub3A to %while3A_116 step %while3A_117  : i32 {
            %mul3A_120 = arith.constant 256 : i32
            %mul3A_121 = arith.muli %while3A_119, %mul3A_120 : i32
            %add3A_122 = arith.constant 0 : i32
            %add3A_123 = arith.addi %mul3A_121, %add3A_122 : i32
            %get3A_124 = arith.index_cast %add3A_123 : i32 to index
            %get3A_125 = tpu.vector_load %arg6[%get3A_124] {strides = array<i32>} : memref<32000xf32, #tpu.memory_space<vmem>>, vector<16xf32>,
            %get3A_126 = vector.shape_cast %get3A_125 : vector<16xf32> to vector<16xf32>
            %mul3A_127 = arith.mulf %get3A_126, %get3A_34 : vector<16xf32>
            %swap3A = arith.index_cast %add3A_123 : i32 to index
            %swap3A_128 = tpu.vector_load %arg6[%swap3A] {strides = array<i32>} : memref<32000xf32, #tpu.memory_space<vmem>>, vector<16xf32>,
            %swap3A_129 = vector.shape_cast %swap3A_128 : vector<16xf32> to vector<16xf32>
            %swap3A_130 = vector.shape_cast %mul3A_127 : vector<16xf32> to vector<16xf32>
            tpu.vector_store %arg6[%swap3A], %swap3A_130 {strides = array<i32>} : memref<32000xf32, #tpu.memory_space<vmem>>, vector<16xf32>,
            %add3A_131 = arith.constant 16 : i32
            %add3A_132 = arith.addi %mul3A_121, %add3A_131 : i32
            %get3A_133 = arith.index_cast %add3A_132 : i32 to index
            %get3A_134 = tpu.vector_load %arg6[%get3A_133] {strides = array<i32>} : memref<32000xf32, #tpu.memory_space<vmem>>, vector<16xf32>,
            %get3A_135 = vector.shape_cast %get3A_134 : vector<16xf32> to vector<16xf32>
            %mul3A_136 = arith.mulf %get3A_135, %get3A_39 : vector<16xf32>
            %swap3A_137 = arith.index_cast %add3A_132 : i32 to index
            %swap3A_138 = tpu.vector_load %arg6[%swap3A_137] {strides = array<i32>} : memref<32000xf32, #tpu.memory_space<vmem>>, vector<16xf32>,
            %swap3A_139 = vector.shape_cast %swap3A_138 : vector<16xf32> to vector<16xf32>
            %swap3A_140 = vector.shape_cast %mul3A_136 : vector<16xf32> to vector<16xf32>
            tpu.vector_store %arg6[%swap3A_137], %swap3A_140 {strides = array<i32>} : memref<32000xf32, #tpu.memory_space<vmem>>, vector<16xf32>,
            %add3A_141 = arith.constant 32 : i32
            %add3A_142 = arith.addi %mul3A_121, %add3A_141 : i32
            %get3A_143 = arith.index_cast %add3A_142 : i32 to index
            %get3A_144 = tpu.vector_load %arg6[%get3A_143] {strides = array<i32>} : memref<32000xf32, #tpu.memory_space<vmem>>, vector<16xf32>,
            %get3A_145 = vector.shape_cast %get3A_144 : vector<16xf32> to vector<16xf32>
            %mul3A_146 = arith.mulf %get3A_145, %get3A_44 : vector<16xf32>
            %swap3A_147 = arith.index_cast %add3A_142 : i32 to index
            %swap3A_148 = tpu.vector_load %arg6[%swap3A_147] {strides = array<i32>} : memref<32000xf32, #tpu.memory_space<vmem>>, vector<16xf32>,
            %swap3A_149 = vector.shape_cast %swap3A_148 : vector<16xf32> to vector<16xf32>
            %swap3A_150 = vector.shape_cast %mul3A_146 : vector<16xf32> to vector<16xf32>
            tpu.vector_store %arg6[%swap3A_147], %swap3A_150 {strides = array<i32>} : memref<32000xf32, #tpu.memory_space<vmem>>, vector<16xf32>,
            %add3A_151 = arith.constant 48 : i32
            %add3A_152 = arith.addi %mul3A_121, %add3A_151 : i32
            %get3A_153 = arith.index_cast %add3A_152 : i32 to index
            %get3A_154 = tpu.vector_load %arg6[%get3A_153] {strides = array<i32>} : memref<32000xf32, #tpu.memory_space<vmem>>, vector<16xf32>,
            %get3A_155 = vector.shape_cast %get3A_154 : vector<16xf32> to vector<16xf32>
            %mul3A_156 = arith.mulf %get3A_155, %get3A_49 : vector<16xf32>
            %swap3A_157 = arith.index_cast %add3A_152 : i32 to index
            %swap3A_158 = tpu.vector_load %arg6[%swap3A_157] {strides = array<i32>} : memref<32000xf32, #tpu.memory_space<vmem>>, vector<16xf32>,
            %swap3A_159 = vector.shape_cast %swap3A_158 : vector<16xf32> to vector<16xf32>
            %swap3A_160 = vector.shape_cast %mul3A_156 : vector<16xf32> to vector<16xf32>
            tpu.vector_store %arg6[%swap3A_157], %swap3A_160 {strides = array<i32>} : memref<32000xf32, #tpu.memory_space<vmem>>, vector<16xf32>,
            %add3A_161 = arith.constant 64 : i32
            %add3A_162 = arith.addi %mul3A_121, %add3A_161 : i32
            %get3A_163 = arith.index_cast %add3A_162 : i32 to index
            %get3A_164 = tpu.vector_load %arg6[%get3A_163] {strides = array<i32>} : memref<32000xf32, #tpu.memory_space<vmem>>, vector<16xf32>,
            %get3A_165 = vector.shape_cast %get3A_164 : vector<16xf32> to vector<16xf32>
            %mul3A_166 = arith.mulf %get3A_165, %get3A_54 : vector<16xf32>
            %swap3A_167 = arith.index_cast %add3A_162 : i32 to index
            %swap3A_168 = tpu.vector_load %arg6[%swap3A_167] {strides = array<i32>} : memref<32000xf32, #tpu.memory_space<vmem>>, vector<16xf32>,
            %swap3A_169 = vector.shape_cast %swap3A_168 : vector<16xf32> to vector<16xf32>
            %swap3A_170 = vector.shape_cast %mul3A_166 : vector<16xf32> to vector<16xf32>
            tpu.vector_store %arg6[%swap3A_167], %swap3A_170 {strides = array<i32>} : memref<32000xf32, #tpu.memory_space<vmem>>, vector<16xf32>,
            %add3A_171 = arith.constant 80 : i32
            %add3A_172 = arith.addi %mul3A_121, %add3A_171 : i32
            %get3A_173 = arith.index_cast %add3A_172 : i32 to index
            %get3A_174 = tpu.vector_load %arg6[%get3A_173] {strides = array<i32>} : memref<32000xf32, #tpu.memory_space<vmem>>, vector<16xf32>,
            %get3A_175 = vector.shape_cast %get3A_174 : vector<16xf32> to vector<16xf32>
            %mul3A_176 = arith.mulf %get3A_175, %get3A_59 : vector<16xf32>
            %swap3A_177 = arith.index_cast %add3A_172 : i32 to index
            %swap3A_178 = tpu.vector_load %arg6[%swap3A_177] {strides = array<i32>} : memref<32000xf32, #tpu.memory_space<vmem>>, vector<16xf32>,
            %swap3A_179 = vector.shape_cast %swap3A_178 : vector<16xf32> to vector<16xf32>
            %swap3A_180 = vector.shape_cast %mul3A_176 : vector<16xf32> to vector<16xf32>
            tpu.vector_store %arg6[%swap3A_177], %swap3A_180 {strides = array<i32>} : memref<32000xf32, #tpu.memory_space<vmem>>, vector<16xf32>,
            %add3A_181 = arith.constant 96 : i32
            %add3A_182 = arith.addi %mul3A_121, %add3A_181 : i32
            %get3A_183 = arith.index_cast %add3A_182 : i32 to index
            %get3A_184 = tpu.vector_load %arg6[%get3A_183] {strides = array<i32>} : memref<32000xf32, #tpu.memory_space<vmem>>, vector<16xf32>,
            %get3A_185 = vector.shape_cast %get3A_184 : vector<16xf32> to vector<16xf32>
            %mul3A_186 = arith.mulf %get3A_185, %get3A_64 : vector<16xf32>
            %swap3A_187 = arith.index_cast %add3A_182 : i32 to index
            %swap3A_188 = tpu.vector_load %arg6[%swap3A_187] {strides = array<i32>} : memref<32000xf32, #tpu.memory_space<vmem>>, vector<16xf32>,
            %swap3A_189 = vector.shape_cast %swap3A_188 : vector<16xf32> to vector<16xf32>
            %swap3A_190 = vector.shape_cast %mul3A_186 : vector<16xf32> to vector<16xf32>
            tpu.vector_store %arg6[%swap3A_187], %swap3A_190 {strides = array<i32>} : memref<32000xf32, #tpu.memory_space<vmem>>, vector<16xf32>,
            %add3A_191 = arith.constant 112 : i32
            %add3A_192 = arith.addi %mul3A_121, %add3A_191 : i32
            %get3A_193 = arith.index_cast %add3A_192 : i32 to index
            %get3A_194 = tpu.vector_load %arg6[%get3A_193] {strides = array<i32>} : memref<32000xf32, #tpu.memory_space<vmem>>, vector<16xf32>,
            %get3A_195 = vector.shape_cast %get3A_194 : vector<16xf32> to vector<16xf32>
            %mul3A_196 = arith.mulf %get3A_195, %get3A_69 : vector<16xf32>
            %swap3A_197 = arith.index_cast %add3A_192 : i32 to index
            %swap3A_198 = tpu.vector_load %arg6[%swap3A_197] {strides = array<i32>} : memref<32000xf32, #tpu.memory_space<vmem>>, vector<16xf32>,
            %swap3A_199 = vector.shape_cast %swap3A_198 : vector<16xf32> to vector<16xf32>
            %swap3A_200 = vector.shape_cast %mul3A_196 : vector<16xf32> to vector<16xf32>
            tpu.vector_store %arg6[%swap3A_197], %swap3A_200 {strides = array<i32>} : memref<32000xf32, #tpu.memory_space<vmem>>, vector<16xf32>,
            %add3A_201 = arith.constant 128 : i32
            %add3A_202 = arith.addi %mul3A_121, %add3A_201 : i32
            %get3A_203 = arith.index_cast %add3A_202 : i32 to index
            %get3A_204 = tpu.vector_load %arg6[%get3A_203] {strides = array<i32>} : memref<32000xf32, #tpu.memory_space<vmem>>, vector<16xf32>,
            %get3A_205 = vector.shape_cast %get3A_204 : vector<16xf32> to vector<16xf32>
            %mul3A_206 = arith.mulf %get3A_205, %get3A_74 : vector<16xf32>
            %swap3A_207 = arith.index_cast %add3A_202 : i32 to index
            %swap3A_208 = tpu.vector_load %arg6[%swap3A_207] {strides = array<i32>} : memref<32000xf32, #tpu.memory_space<vmem>>, vector<16xf32>,
            %swap3A_209 = vector.shape_cast %swap3A_208 : vector<16xf32> to vector<16xf32>
            %swap3A_210 = vector.shape_cast %mul3A_206 : vector<16xf32> to vector<16xf32>
            tpu.vector_store %arg6[%swap3A_207], %swap3A_210 {strides = array<i32>} : memref<32000xf32, #tpu.memory_space<vmem>>, vector<16xf32>,
            %add3A_211 = arith.constant 144 : i32
            %add3A_212 = arith.addi %mul3A_121, %add3A_211 : i32
            %get3A_213 = arith.index_cast %add3A_212 : i32 to index
            %get3A_214 = tpu.vector_load %arg6[%get3A_213] {strides = array<i32>} : memref<32000xf32, #tpu.memory_space<vmem>>, vector<16xf32>,
            %get3A_215 = vector.shape_cast %get3A_214 : vector<16xf32> to vector<16xf32>
            %mul3A_216 = arith.mulf %get3A_215, %get3A_79 : vector<16xf32>
            %swap3A_217 = arith.index_cast %add3A_212 : i32 to index
            %swap3A_218 = tpu.vector_load %arg6[%swap3A_217] {strides = array<i32>} : memref<32000xf32, #tpu.memory_space<vmem>>, vector<16xf32>,
            %swap3A_219 = vector.shape_cast %swap3A_218 : vector<16xf32> to vector<16xf32>
            %swap3A_220 = vector.shape_cast %mul3A_216 : vector<16xf32> to vector<16xf32>
            tpu.vector_store %arg6[%swap3A_217], %swap3A_220 {strides = array<i32>} : memref<32000xf32, #tpu.memory_space<vmem>>, vector<16xf32>,
            %add3A_221 = arith.constant 160 : i32
            %add3A_222 = arith.addi %mul3A_121, %add3A_221 : i32
            %get3A_223 = arith.index_cast %add3A_222 : i32 to index
            %get3A_224 = tpu.vector_load %arg6[%get3A_223] {strides = array<i32>} : memref<32000xf32, #tpu.memory_space<vmem>>, vector<16xf32>,
            %get3A_225 = vector.shape_cast %get3A_224 : vector<16xf32> to vector<16xf32>
            %mul3A_226 = arith.mulf %get3A_225, %get3A_84 : vector<16xf32>
            %swap3A_227 = arith.index_cast %add3A_222 : i32 to index
            %swap3A_228 = tpu.vector_load %arg6[%swap3A_227] {strides = array<i32>} : memref<32000xf32, #tpu.memory_space<vmem>>, vector<16xf32>,
            %swap3A_229 = vector.shape_cast %swap3A_228 : vector<16xf32> to vector<16xf32>
            %swap3A_230 = vector.shape_cast %mul3A_226 : vector<16xf32> to vector<16xf32>
            tpu.vector_store %arg6[%swap3A_227], %swap3A_230 {strides = array<i32>} : memref<32000xf32, #tpu.memory_space<vmem>>, vector<16xf32>,
            %add3A_231 = arith.constant 176 : i32
            %add3A_232 = arith.addi %mul3A_121, %add3A_231 : i32
            %get3A_233 = arith.index_cast %add3A_232 : i32 to index
            %get3A_234 = tpu.vector_load %arg6[%get3A_233] {strides = array<i32>} : memref<32000xf32, #tpu.memory_space<vmem>>, vector<16xf32>,
            %get3A_235 = vector.shape_cast %get3A_234 : vector<16xf32> to vector<16xf32>
            %mul3A_236 = arith.mulf %get3A_235, %get3A_89 : vector<16xf32>
            %swap3A_237 = arith.index_cast %add3A_232 : i32 to index
            %swap3A_238 = tpu.vector_load %arg6[%swap3A_237] {strides = array<i32>} : memref<32000xf32, #tpu.memory_space<vmem>>, vector<16xf32>,
            %swap3A_239 = vector.shape_cast %swap3A_238 : vector<16xf32> to vector<16xf32>
            %swap3A_240 = vector.shape_cast %mul3A_236 : vector<16xf32> to vector<16xf32>
            tpu.vector_store %arg6[%swap3A_237], %swap3A_240 {strides = array<i32>} : memref<32000xf32, #tpu.memory_space<vmem>>, vector<16xf32>,
            %add3A_241 = arith.constant 192 : i32
            %add3A_242 = arith.addi %mul3A_121, %add3A_241 : i32
            %get3A_243 = arith.index_cast %add3A_242 : i32 to index
            %get3A_244 = tpu.vector_load %arg6[%get3A_243] {strides = array<i32>} : memref<32000xf32, #tpu.memory_space<vmem>>, vector<16xf32>,
            %get3A_245 = vector.shape_cast %get3A_244 : vector<16xf32> to vector<16xf32>
            %mul3A_246 = arith.mulf %get3A_245, %get3A_94 : vector<16xf32>
            %swap3A_247 = arith.index_cast %add3A_242 : i32 to index
            %swap3A_248 = tpu.vector_load %arg6[%swap3A_247] {strides = array<i32>} : memref<32000xf32, #tpu.memory_space<vmem>>, vector<16xf32>,
            %swap3A_249 = vector.shape_cast %swap3A_248 : vector<16xf32> to vector<16xf32>
            %swap3A_250 = vector.shape_cast %mul3A_246 : vector<16xf32> to vector<16xf32>
            tpu.vector_store %arg6[%swap3A_247], %swap3A_250 {strides = array<i32>} : memref<32000xf32, #tpu.memory_space<vmem>>, vector<16xf32>,
            %add3A_251 = arith.constant 208 : i32
            %add3A_252 = arith.addi %mul3A_121, %add3A_251 : i32
            %get3A_253 = arith.index_cast %add3A_252 : i32 to index
            %get3A_254 = tpu.vector_load %arg6[%get3A_253] {strides = array<i32>} : memref<32000xf32, #tpu.memory_space<vmem>>, vector<16xf32>,
            %get3A_255 = vector.shape_cast %get3A_254 : vector<16xf32> to vector<16xf32>
            %mul3A_256 = arith.mulf %get3A_255, %get3A_99 : vector<16xf32>
            %swap3A_257 = arith.index_cast %add3A_252 : i32 to index
            %swap3A_258 = tpu.vector_load %arg6[%swap3A_257] {strides = array<i32>} : memref<32000xf32, #tpu.memory_space<vmem>>, vector<16xf32>,
            %swap3A_259 = vector.shape_cast %swap3A_258 : vector<16xf32> to vector<16xf32>
            %swap3A_260 = vector.shape_cast %mul3A_256 : vector<16xf32> to vector<16xf32>
            tpu.vector_store %arg6[%swap3A_257], %swap3A_260 {strides = array<i32>} : memref<32000xf32, #tpu.memory_space<vmem>>, vector<16xf32>,
            %add3A_261 = arith.constant 224 : i32
            %add3A_262 = arith.addi %mul3A_121, %add3A_261 : i32
            %get3A_263 = arith.index_cast %add3A_262 : i32 to index
            %get3A_264 = tpu.vector_load %arg6[%get3A_263] {strides = array<i32>} : memref<32000xf32, #tpu.memory_space<vmem>>, vector<16xf32>,
            %get3A_265 = vector.shape_cast %get3A_264 : vector<16xf32> to vector<16xf32>
            %mul3A_266 = arith.mulf %get3A_265, %get3A_104 : vector<16xf32>
            %swap3A_267 = arith.index_cast %add3A_262 : i32 to index
            %swap3A_268 = tpu.vector_load %arg6[%swap3A_267] {strides = array<i32>} : memref<32000xf32, #tpu.memory_space<vmem>>, vector<16xf32>,
            %swap3A_269 = vector.shape_cast %swap3A_268 : vector<16xf32> to vector<16xf32>
            %swap3A_270 = vector.shape_cast %mul3A_266 : vector<16xf32> to vector<16xf32>
            tpu.vector_store %arg6[%swap3A_267], %swap3A_270 {strides = array<i32>} : memref<32000xf32, #tpu.memory_space<vmem>>, vector<16xf32>,
            %add3A_271 = arith.constant 240 : i32
            %add3A_272 = arith.addi %mul3A_121, %add3A_271 : i32
            %get3A_273 = arith.index_cast %add3A_272 : i32 to index
            %get3A_274 = tpu.vector_load %arg6[%get3A_273] {strides = array<i32>} : memref<32000xf32, #tpu.memory_space<vmem>>, vector<16xf32>,
            %get3A_275 = vector.shape_cast %get3A_274 : vector<16xf32> to vector<16xf32>
            %mul3A_276 = arith.mulf %get3A_275, %get3A_109 : vector<16xf32>
            %swap3A_277 = arith.index_cast %add3A_272 : i32 to index
            %swap3A_278 = tpu.vector_load %arg6[%swap3A_277] {strides = array<i32>} : memref<32000xf32, #tpu.memory_space<vmem>>, vector<16xf32>,
            %swap3A_279 = vector.shape_cast %swap3A_278 : vector<16xf32> to vector<16xf32>
            %swap3A_280 = vector.shape_cast %mul3A_276 : vector<16xf32> to vector<16xf32>
            tpu.vector_store %arg6[%swap3A_277], %swap3A_280 {strides = array<i32>} : memref<32000xf32, #tpu.memory_space<vmem>>, vector<16xf32>,
          }
          %while3A_118 = arith.constant 1 : i32
          scf.for %while3A_119 = %while3A_116 to %while3A_112 step %while3A_118  : i32 {
            %mul3A_120 = arith.constant 256 : i32
            %mul3A_121 = arith.muli %while3A_119, %mul3A_120 : i32
            %add3A_122 = arith.constant 0 : i32
            %add3A_123 = arith.addi %mul3A_121, %add3A_122 : i32
            %get3A_124 = arith.index_cast %add3A_123 : i32 to index
            %get3A_125 = tpu.vector_load %arg6[%get3A_124] {strides = array<i32>} : memref<32000xf32, #tpu.memory_space<vmem>>, vector<16xf32>,
            %get3A_126 = vector.shape_cast %get3A_125 : vector<16xf32> to vector<16xf32>
            %mul3A_127 = arith.mulf %get3A_126, %get3A_34 : vector<16xf32>
            %swap3A = arith.index_cast %add3A_123 : i32 to index
            %swap3A_128 = tpu.vector_load %arg6[%swap3A] {strides = array<i32>} : memref<32000xf32, #tpu.memory_space<vmem>>, vector<16xf32>,
            %swap3A_129 = vector.shape_cast %swap3A_128 : vector<16xf32> to vector<16xf32>
            %swap3A_130 = vector.shape_cast %mul3A_127 : vector<16xf32> to vector<16xf32>
            tpu.vector_store %arg6[%swap3A], %swap3A_130 {strides = array<i32>} : memref<32000xf32, #tpu.memory_space<vmem>>, vector<16xf32>,
            %add3A_131 = arith.constant 16 : i32
            %add3A_132 = arith.addi %mul3A_121, %add3A_131 : i32
            %get3A_133 = arith.index_cast %add3A_132 : i32 to index
            %get3A_134 = tpu.vector_load %arg6[%get3A_133] {strides = array<i32>} : memref<32000xf32, #tpu.memory_space<vmem>>, vector<16xf32>,
            %get3A_135 = vector.shape_cast %get3A_134 : vector<16xf32> to vector<16xf32>
            %mul3A_136 = arith.mulf %get3A_135, %get3A_39 : vector<16xf32>
            %swap3A_137 = arith.index_cast %add3A_132 : i32 to index
            %swap3A_138 = tpu.vector_load %arg6[%swap3A_137] {strides = array<i32>} : memref<32000xf32, #tpu.memory_space<vmem>>, vector<16xf32>,
            %swap3A_139 = vector.shape_cast %swap3A_138 : vector<16xf32> to vector<16xf32>
            %swap3A_140 = vector.shape_cast %mul3A_136 : vector<16xf32> to vector<16xf32>
            tpu.vector_store %arg6[%swap3A_137], %swap3A_140 {strides = array<i32>} : memref<32000xf32, #tpu.memory_space<vmem>>, vector<16xf32>,
            %add3A_141 = arith.constant 32 : i32
            %add3A_142 = arith.addi %mul3A_121, %add3A_141 : i32
            %get3A_143 = arith.index_cast %add3A_142 : i32 to index
            %get3A_144 = tpu.vector_load %arg6[%get3A_143] {strides = array<i32>} : memref<32000xf32, #tpu.memory_space<vmem>>, vector<16xf32>,
            %get3A_145 = vector.shape_cast %get3A_144 : vector<16xf32> to vector<16xf32>
            %mul3A_146 = arith.mulf %get3A_145, %get3A_44 : vector<16xf32>
            %swap3A_147 = arith.index_cast %add3A_142 : i32 to index
            %swap3A_148 = tpu.vector_load %arg6[%swap3A_147] {strides = array<i32>} : memref<32000xf32, #tpu.memory_space<vmem>>, vector<16xf32>,
            %swap3A_149 = vector.shape_cast %swap3A_148 : vector<16xf32> to vector<16xf32>
            %swap3A_150 = vector.shape_cast %mul3A_146 : vector<16xf32> to vector<16xf32>
            tpu.vector_store %arg6[%swap3A_147], %swap3A_150 {strides = array<i32>} : memref<32000xf32, #tpu.memory_space<vmem>>, vector<16xf32>,
            %add3A_151 = arith.constant 48 : i32
            %add3A_152 = arith.addi %mul3A_121, %add3A_151 : i32
            %get3A_153 = arith.index_cast %add3A_152 : i32 to index
            %get3A_154 = tpu.vector_load %arg6[%get3A_153] {strides = array<i32>} : memref<32000xf32, #tpu.memory_space<vmem>>, vector<16xf32>,
            %get3A_155 = vector.shape_cast %get3A_154 : vector<16xf32> to vector<16xf32>
            %mul3A_156 = arith.mulf %get3A_155, %get3A_49 : vector<16xf32>
            %swap3A_157 = arith.index_cast %add3A_152 : i32 to index
            %swap3A_158 = tpu.vector_load %arg6[%swap3A_157] {strides = array<i32>} : memref<32000xf32, #tpu.memory_space<vmem>>, vector<16xf32>,
            %swap3A_159 = vector.shape_cast %swap3A_158 : vector<16xf32> to vector<16xf32>
            %swap3A_160 = vector.shape_cast %mul3A_156 : vector<16xf32> to vector<16xf32>
            tpu.vector_store %arg6[%swap3A_157], %swap3A_160 {strides = array<i32>} : memref<32000xf32, #tpu.memory_space<vmem>>, vector<16xf32>,
            %add3A_161 = arith.constant 64 : i32
            %add3A_162 = arith.addi %mul3A_121, %add3A_161 : i32
            %get3A_163 = arith.index_cast %add3A_162 : i32 to index
            %get3A_164 = tpu.vector_load %arg6[%get3A_163] {strides = array<i32>} : memref<32000xf32, #tpu.memory_space<vmem>>, vector<16xf32>,
            %get3A_165 = vector.shape_cast %get3A_164 : vector<16xf32> to vector<16xf32>
            %mul3A_166 = arith.mulf %get3A_165, %get3A_54 : vector<16xf32>
            %swap3A_167 = arith.index_cast %add3A_162 : i32 to index
            %swap3A_168 = tpu.vector_load %arg6[%swap3A_167] {strides = array<i32>} : memref<32000xf32, #tpu.memory_space<vmem>>, vector<16xf32>,
            %swap3A_169 = vector.shape_cast %swap3A_168 : vector<16xf32> to vector<16xf32>
            %swap3A_170 = vector.shape_cast %mul3A_166 : vector<16xf32> to vector<16xf32>
            tpu.vector_store %arg6[%swap3A_167], %swap3A_170 {strides = array<i32>} : memref<32000xf32, #tpu.memory_space<vmem>>, vector<16xf32>,
            %add3A_171 = arith.constant 80 : i32
            %add3A_172 = arith.addi %mul3A_121, %add3A_171 : i32
            %get3A_173 = arith.index_cast %add3A_172 : i32 to index
            %get3A_174 = tpu.vector_load %arg6[%get3A_173] {strides = array<i32>} : memref<32000xf32, #tpu.memory_space<vmem>>, vector<16xf32>,
            %get3A_175 = vector.shape_cast %get3A_174 : vector<16xf32> to vector<16xf32>
            %mul3A_176 = arith.mulf %get3A_175, %get3A_59 : vector<16xf32>
            %swap3A_177 = arith.index_cast %add3A_172 : i32 to index
            %swap3A_178 = tpu.vector_load %arg6[%swap3A_177] {strides = array<i32>} : memref<32000xf32, #tpu.memory_space<vmem>>, vector<16xf32>,
            %swap3A_179 = vector.shape_cast %swap3A_178 : vector<16xf32> to vector<16xf32>
            %swap3A_180 = vector.shape_cast %mul3A_176 : vector<16xf32> to vector<16xf32>
            tpu.vector_store %arg6[%swap3A_177], %swap3A_180 {strides = array<i32>} : memref<32000xf32, #tpu.memory_space<vmem>>, vector<16xf32>,
            %add3A_181 = arith.constant 96 : i32
            %add3A_182 = arith.addi %mul3A_121, %add3A_181 : i32
            %get3A_183 = arith.index_cast %add3A_182 : i32 to index
            %get3A_184 = tpu.vector_load %arg6[%get3A_183] {strides = array<i32>} : memref<32000xf32, #tpu.memory_space<vmem>>, vector<16xf32>,
            %get3A_185 = vector.shape_cast %get3A_184 : vector<16xf32> to vector<16xf32>
            %mul3A_186 = arith.mulf %get3A_185, %get3A_64 : vector<16xf32>
            %swap3A_187 = arith.index_cast %add3A_182 : i32 to index
            %swap3A_188 = tpu.vector_load %arg6[%swap3A_187] {strides = array<i32>} : memref<32000xf32, #tpu.memory_space<vmem>>, vector<16xf32>,
            %swap3A_189 = vector.shape_cast %swap3A_188 : vector<16xf32> to vector<16xf32>
            %swap3A_190 = vector.shape_cast %mul3A_186 : vector<16xf32> to vector<16xf32>
            tpu.vector_store %arg6[%swap3A_187], %swap3A_190 {strides = array<i32>} : memref<32000xf32, #tpu.memory_space<vmem>>, vector<16xf32>,
            %add3A_191 = arith.constant 112 : i32
            %add3A_192 = arith.addi %mul3A_121, %add3A_191 : i32
            %get3A_193 = arith.index_cast %add3A_192 : i32 to index
            %get3A_194 = tpu.vector_load %arg6[%get3A_193] {strides = array<i32>} : memref<32000xf32, #tpu.memory_space<vmem>>, vector<16xf32>,
            %get3A_195 = vector.shape_cast %get3A_194 : vector<16xf32> to vector<16xf32>
            %mul3A_196 = arith.mulf %get3A_195, %get3A_69 : vector<16xf32>
            %swap3A_197 = arith.index_cast %add3A_192 : i32 to index
            %swap3A_198 = tpu.vector_load %arg6[%swap3A_197] {strides = array<i32>} : memref<32000xf32, #tpu.memory_space<vmem>>, vector<16xf32>,
            %swap3A_199 = vector.shape_cast %swap3A_198 : vector<16xf32> to vector<16xf32>
            %swap3A_200 = vector.shape_cast %mul3A_196 : vector<16xf32> to vector<16xf32>
            tpu.vector_store %arg6[%swap3A_197], %swap3A_200 {strides = array<i32>} : memref<32000xf32, #tpu.memory_space<vmem>>, vector<16xf32>,
            %add3A_201 = arith.constant 128 : i32
            %add3A_202 = arith.addi %mul3A_121, %add3A_201 : i32
            %get3A_203 = arith.index_cast %add3A_202 : i32 to index
            %get3A_204 = tpu.vector_load %arg6[%get3A_203] {strides = array<i32>} : memref<32000xf32, #tpu.memory_space<vmem>>, vector<16xf32>,
            %get3A_205 = vector.shape_cast %get3A_204 : vector<16xf32> to vector<16xf32>
            %mul3A_206 = arith.mulf %get3A_205, %get3A_74 : vector<16xf32>
            %swap3A_207 = arith.index_cast %add3A_202 : i32 to index
            %swap3A_208 = tpu.vector_load %arg6[%swap3A_207] {strides = array<i32>} : memref<32000xf32, #tpu.memory_space<vmem>>, vector<16xf32>,
            %swap3A_209 = vector.shape_cast %swap3A_208 : vector<16xf32> to vector<16xf32>
            %swap3A_210 = vector.shape_cast %mul3A_206 : vector<16xf32> to vector<16xf32>
            tpu.vector_store %arg6[%swap3A_207], %swap3A_210 {strides = array<i32>} : memref<32000xf32, #tpu.memory_space<vmem>>, vector<16xf32>,
            %add3A_211 = arith.constant 144 : i32
            %add3A_212 = arith.addi %mul3A_121, %add3A_211 : i32
            %get3A_213 = arith.index_cast %add3A_212 : i32 to index
            %get3A_214 = tpu.vector_load %arg6[%get3A_213] {strides = array<i32>} : memref<32000xf32, #tpu.memory_space<vmem>>, vector<16xf32>,
            %get3A_215 = vector.shape_cast %get3A_214 : vector<16xf32> to vector<16xf32>
            %mul3A_216 = arith.mulf %get3A_215, %get3A_79 : vector<16xf32>
            %swap3A_217 = arith.index_cast %add3A_212 : i32 to index
            %swap3A_218 = tpu.vector_load %arg6[%swap3A_217] {strides = array<i32>} : memref<32000xf32, #tpu.memory_space<vmem>>, vector<16xf32>,
            %swap3A_219 = vector.shape_cast %swap3A_218 : vector<16xf32> to vector<16xf32>
            %swap3A_220 = vector.shape_cast %mul3A_216 : vector<16xf32> to vector<16xf32>
            tpu.vector_store %arg6[%swap3A_217], %swap3A_220 {strides = array<i32>} : memref<32000xf32, #tpu.memory_space<vmem>>, vector<16xf32>,
            %add3A_221 = arith.constant 160 : i32
            %add3A_222 = arith.addi %mul3A_121, %add3A_221 : i32
            %get3A_223 = arith.index_cast %add3A_222 : i32 to index
            %get3A_224 = tpu.vector_load %arg6[%get3A_223] {strides = array<i32>} : memref<32000xf32, #tpu.memory_space<vmem>>, vector<16xf32>,
            %get3A_225 = vector.shape_cast %get3A_224 : vector<16xf32> to vector<16xf32>
            %mul3A_226 = arith.mulf %get3A_225, %get3A_84 : vector<16xf32>
            %swap3A_227 = arith.index_cast %add3A_222 : i32 to index
            %swap3A_228 = tpu.vector_load %arg6[%swap3A_227] {strides = array<i32>} : memref<32000xf32, #tpu.memory_space<vmem>>, vector<16xf32>,
            %swap3A_229 = vector.shape_cast %swap3A_228 : vector<16xf32> to vector<16xf32>
            %swap3A_230 = vector.shape_cast %mul3A_226 : vector<16xf32> to vector<16xf32>
            tpu.vector_store %arg6[%swap3A_227], %swap3A_230 {strides = array<i32>} : memref<32000xf32, #tpu.memory_space<vmem>>, vector<16xf32>,
            %add3A_231 = arith.constant 176 : i32
            %add3A_232 = arith.addi %mul3A_121, %add3A_231 : i32
            %get3A_233 = arith.index_cast %add3A_232 : i32 to index
            %get3A_234 = tpu.vector_load %arg6[%get3A_233] {strides = array<i32>} : memref<32000xf32, #tpu.memory_space<vmem>>, vector<16xf32>,
            %get3A_235 = vector.shape_cast %get3A_234 : vector<16xf32> to vector<16xf32>
            %mul3A_236 = arith.mulf %get3A_235, %get3A_89 : vector<16xf32>
            %swap3A_237 = arith.index_cast %add3A_232 : i32 to index
            %swap3A_238 = tpu.vector_load %arg6[%swap3A_237] {strides = array<i32>} : memref<32000xf32, #tpu.memory_space<vmem>>, vector<16xf32>,
            %swap3A_239 = vector.shape_cast %swap3A_238 : vector<16xf32> to vector<16xf32>
            %swap3A_240 = vector.shape_cast %mul3A_236 : vector<16xf32> to vector<16xf32>
            tpu.vector_store %arg6[%swap3A_237], %swap3A_240 {strides = array<i32>} : memref<32000xf32, #tpu.memory_space<vmem>>, vector<16xf32>,
            %add3A_241 = arith.constant 192 : i32
            %add3A_242 = arith.addi %mul3A_121, %add3A_241 : i32
            %get3A_243 = arith.index_cast %add3A_242 : i32 to index
            %get3A_244 = tpu.vector_load %arg6[%get3A_243] {strides = array<i32>} : memref<32000xf32, #tpu.memory_space<vmem>>, vector<16xf32>,
            %get3A_245 = vector.shape_cast %get3A_244 : vector<16xf32> to vector<16xf32>
            %mul3A_246 = arith.mulf %get3A_245, %get3A_94 : vector<16xf32>
            %swap3A_247 = arith.index_cast %add3A_242 : i32 to index
            %swap3A_248 = tpu.vector_load %arg6[%swap3A_247] {strides = array<i32>} : memref<32000xf32, #tpu.memory_space<vmem>>, vector<16xf32>,
            %swap3A_249 = vector.shape_cast %swap3A_248 : vector<16xf32> to vector<16xf32>
            %swap3A_250 = vector.shape_cast %mul3A_246 : vector<16xf32> to vector<16xf32>
            tpu.vector_store %arg6[%swap3A_247], %swap3A_250 {strides = array<i32>} : memref<32000xf32, #tpu.memory_space<vmem>>, vector<16xf32>,
            %add3A_251 = arith.constant 208 : i32
            %add3A_252 = arith.addi %mul3A_121, %add3A_251 : i32
            %get3A_253 = arith.index_cast %add3A_252 : i32 to index
            %get3A_254 = tpu.vector_load %arg6[%get3A_253] {strides = array<i32>} : memref<32000xf32, #tpu.memory_space<vmem>>, vector<16xf32>,
            %get3A_255 = vector.shape_cast %get3A_254 : vector<16xf32> to vector<16xf32>
            %mul3A_256 = arith.mulf %get3A_255, %get3A_99 : vector<16xf32>
            %swap3A_257 = arith.index_cast %add3A_252 : i32 to index
            %swap3A_258 = tpu.vector_load %arg6[%swap3A_257] {strides = array<i32>} : memref<32000xf32, #tpu.memory_space<vmem>>, vector<16xf32>,
            %swap3A_259 = vector.shape_cast %swap3A_258 : vector<16xf32> to vector<16xf32>
            %swap3A_260 = vector.shape_cast %mul3A_256 : vector<16xf32> to vector<16xf32>
            tpu.vector_store %arg6[%swap3A_257], %swap3A_260 {strides = array<i32>} : memref<32000xf32, #tpu.memory_space<vmem>>, vector<16xf32>,
            %add3A_261 = arith.constant 224 : i32
            %add3A_262 = arith.addi %mul3A_121, %add3A_261 : i32
            %get3A_263 = arith.index_cast %add3A_262 : i32 to index
            %get3A_264 = tpu.vector_load %arg6[%get3A_263] {strides = array<i32>} : memref<32000xf32, #tpu.memory_space<vmem>>, vector<16xf32>,
            %get3A_265 = vector.shape_cast %get3A_264 : vector<16xf32> to vector<16xf32>
            %mul3A_266 = arith.mulf %get3A_265, %get3A_104 : vector<16xf32>
            %swap3A_267 = arith.index_cast %add3A_262 : i32 to index
            %swap3A_268 = tpu.vector_load %arg6[%swap3A_267] {strides = array<i32>} : memref<32000xf32, #tpu.memory_space<vmem>>, vector<16xf32>,
            %swap3A_269 = vector.shape_cast %swap3A_268 : vector<16xf32> to vector<16xf32>
            %swap3A_270 = vector.shape_cast %mul3A_266 : vector<16xf32> to vector<16xf32>
            tpu.vector_store %arg6[%swap3A_267], %swap3A_270 {strides = array<i32>} : memref<32000xf32, #tpu.memory_space<vmem>>, vector<16xf32>,
            %add3A_271 = arith.constant 240 : i32
            %add3A_272 = arith.addi %mul3A_121, %add3A_271 : i32
            %get3A_273 = arith.index_cast %add3A_272 : i32 to index
            %get3A_274 = tpu.vector_load %arg6[%get3A_273] {strides = array<i32>} : memref<32000xf32, #tpu.memory_space<vmem>>, vector<16xf32>,
            %get3A_275 = vector.shape_cast %get3A_274 : vector<16xf32> to vector<16xf32>
            %mul3A_276 = arith.mulf %get3A_275, %get3A_109 : vector<16xf32>
            %swap3A_277 = arith.index_cast %add3A_272 : i32 to index
            %swap3A_278 = tpu.vector_load %arg6[%swap3A_277] {strides = array<i32>} : memref<32000xf32, #tpu.memory_space<vmem>>, vector<16xf32>,
            %swap3A_279 = vector.shape_cast %swap3A_278 : vector<16xf32> to vector<16xf32>
            %swap3A_280 = vector.shape_cast %mul3A_276 : vector<16xf32> to vector<16xf32>
            tpu.vector_store %arg6[%swap3A_277], %swap3A_280 {strides = array<i32>} : memref<32000xf32, #tpu.memory_space<vmem>>, vector<16xf32>,
          }
        } else {
        }
      }
      %scan3A_19 = arith.constant 64 : i32
      "tpu.region"() ({
        %run_scoped3A_20 = tpu.sem_alloc : memref<!tpu.dma_semaphore, #tpu.memory_space<semaphore_mem>>
        %dma_start3A = tpu.memref_slice %arg5[%multiple_of3A] : memref<25600000xf32, #tpu.memory_space<hbm>> -> memref<32000xf32, #tpu.memory_space<hbm>>
        %dma_start3A_21 = tpu.memref_slice %arg5[%multiple_of3A] : memref<25600000xf32, #tpu.memory_space<hbm>> -> memref<32000xf32, #tpu.memory_space<hbm>>
        tpu.enqueue_dma source(%arg6 : memref<32000xf32, #tpu.memory_space<vmem>>) target(%dma_start3A_21 : memref<32000xf32, #tpu.memory_space<hbm>>) target_semaphore(%run_scoped3A_20 : memref<!tpu.dma_semaphore, #tpu.memory_space<semaphore_mem>>)
        %dma_wait3A = tpu.memref_slice %arg5[%multiple_of3A] : memref<25600000xf32, #tpu.memory_space<hbm>> -> memref<32000xf32, #tpu.memory_space<hbm>>
        %dma_wait3A_22 = tpu.memref_slice %arg5[%multiple_of3A] : memref<25600000xf32, #tpu.memory_space<hbm>> -> memref<32000xf32, #tpu.memory_space<hbm>>
        tpu.wait_dma2 semaphore(%run_scoped3A_20 : memref<!tpu.dma_semaphore, #tpu.memory_space<semaphore_mem>>) src(%arg6 : memref<32000xf32, #tpu.memory_space<vmem>>) dst(%dma_wait3A_22 : memref<32000xf32, #tpu.memory_space<hbm>>)
        tpu.yield
      }) : () -> ()
    }
    %scan3A_7 = arith.constant 25 : i32
    return
  }
}

#map = affine_map<(d0, d1) -> (0)>
#map1 = affine_map<(d0, d1) -> (0, 0)>
module attributes {stable_mosaic.version = 14 : i64} {
  func.func @_segsum(%arg0: i32, %arg1: i32, %arg2: memref<25600000xf32, #tpu.memory_space<hbm>>, %arg3: memref<100096xi32, #tpu.memory_space<hbm>>, %arg4: memref<32x16384xf32, #tpu.memory_space<hbm>>, %arg5: memref<32x1024xf32, #tpu.memory_space<hbm>>, %arg6: memref<32000xf32, #tpu.memory_space<vmem>>, %arg7: memref<160xi32, #tpu.memory_space<vmem>>, %arg8: memref<16384xf32, #tpu.memory_space<vmem>>, %arg9: memref<1024xf32, #tpu.memory_space<vmem>>) attributes {dimension_semantics = [#tpu.dimension_semantics<core_parallel>, #tpu.dimension_semantics<subcore_parallel>], iteration_bounds = array<i64: 2, 16>, scalar_prefetch = 0 : i64, scratch_operands = 4 : i64, tpu.core_type = #tpu.core_type<sc_vector_subcore>, window_params = [{transform_indices = #map}, {transform_indices = #map}, {transform_indices = #map1}, {transform_indices = #map1}]} {
    %mul3A = arith.constant 2 : i32
    %mul3A_0 = arith.muli %arg1, %mul3A : i32
    %add3A = arith.addi %mul3A_0, %arg0 : i32
    %broadcast_in_dim3A = arith.constant 0.000000e+00 : f32
    %broadcast_in_dim3A_1 = vector.broadcast %broadcast_in_dim3A : f32 to vector<16xf32>
    %broadcast_in_dim3A_2 = arith.constant 1.000000e+00 : f32
    %broadcast_in_dim3A_3 = vector.broadcast %broadcast_in_dim3A_2 : f32 to vector<16xf32>
    %scan3A = arith.constant 0 : i32
    %scan3A_4 = arith.constant 0 : i32
    %scan3A_5 = arith.constant 1024 : i32
    %scan3A_6 = arith.addi %scan3A_4, %scan3A_5 : i32
    %scan3A_7 = arith.constant 1 : i32
    scf.for %scan3A_23 = %scan3A_4 to %scan3A_6 step %scan3A_7  : i32 {
      %mul3A_24 = arith.constant 16 : i32
      %mul3A_25 = arith.muli %scan3A_23, %mul3A_24 : i32
      %swap3A = arith.index_cast %mul3A_25 : i32 to index
      %swap3A_26 = tpu.vector_load %arg8[%swap3A] {strides = array<i32>} : memref<16384xf32, #tpu.memory_space<vmem>>, vector<16xf32>,
      %swap3A_27 = vector.shape_cast %swap3A_26 : vector<16xf32> to vector<16xf32>
      %swap3A_28 = vector.shape_cast %broadcast_in_dim3A_1 : vector<16xf32> to vector<16xf32>
      tpu.vector_store %arg8[%swap3A], %swap3A_28 {strides = array<i32>} : memref<16384xf32, #tpu.memory_space<vmem>>, vector<16xf32>,
    }
    %scan3A_8 = arith.constant 1024 : i32
    %scan3A_9 = arith.constant 0 : i32
    %scan3A_10 = arith.constant 0 : i32
    %scan3A_11 = arith.constant 64 : i32
    %scan3A_12 = arith.addi %scan3A_10, %scan3A_11 : i32
    %scan3A_13 = arith.constant 1 : i32
    scf.for %scan3A_23 = %scan3A_10 to %scan3A_12 step %scan3A_13  : i32 {
      %mul3A_24 = arith.constant 16 : i32
      %mul3A_25 = arith.muli %scan3A_23, %mul3A_24 : i32
      %swap3A = arith.index_cast %mul3A_25 : i32 to index
      %swap3A_26 = tpu.vector_load %arg9[%swap3A] {strides = array<i32>} : memref<1024xf32, #tpu.memory_space<vmem>>, vector<16xf32>,
      %swap3A_27 = vector.shape_cast %swap3A_26 : vector<16xf32> to vector<16xf32>
      %swap3A_28 = vector.shape_cast %broadcast_in_dim3A_1 : vector<16xf32> to vector<16xf32>
      tpu.vector_store %arg9[%swap3A], %swap3A_28 {strides = array<i32>} : memref<1024xf32, #tpu.memory_space<vmem>>, vector<16xf32>,
    }
    %scan3A_14 = arith.constant 64 : i32
    %mul3A_15 = arith.constant 3125 : i32
    %mul3A_16 = arith.muli %add3A, %mul3A_15 : i32
    %scan3A_17 = arith.constant 0 : i32
    %scan3A_18 = arith.constant 0 : i32
    %scan3A_19 = arith.constant 25 : i32
    %scan3A_20 = arith.addi %scan3A_18, %scan3A_19 : i32
    %scan3A_21 = arith.constant 1 : i32
    scf.for %scan3A_23 = %scan3A_18 to %scan3A_20 step %scan3A_21  : i32 {
      %mul3A_24 = arith.constant 125 : i32
      %mul3A_25 = arith.muli %scan3A_23, %mul3A_24 : i32
      %add3A_26 = arith.addi %mul3A_16, %mul3A_25 : i32
      %mul3A_27 = arith.constant 256 : i32
      %mul3A_28 = arith.muli %add3A_26, %mul3A_27 : i32
      %multiple_of3A = tpu.assume_multiple %mul3A_28, 8 : i32
      "tpu.region"() ({
        %run_scoped3A = tpu.sem_alloc : memref<!tpu.dma_semaphore, #tpu.memory_space<semaphore_mem>>
        %dma_start3A = tpu.memref_slice %arg2[%multiple_of3A] : memref<25600000xf32, #tpu.memory_space<hbm>> -> memref<32000xf32, #tpu.memory_space<hbm>>
        %dma_start3A_55 = tpu.memref_slice %arg2[%multiple_of3A] : memref<25600000xf32, #tpu.memory_space<hbm>> -> memref<32000xf32, #tpu.memory_space<hbm>>
        tpu.enqueue_dma source(%dma_start3A_55 : memref<32000xf32, #tpu.memory_space<hbm>>) target(%arg6 : memref<32000xf32, #tpu.memory_space<vmem>>) target_semaphore(%run_scoped3A : memref<!tpu.dma_semaphore, #tpu.memory_space<semaphore_mem>>)
        %dma_wait3A = tpu.memref_slice %arg2[%multiple_of3A] : memref<25600000xf32, #tpu.memory_space<hbm>> -> memref<32000xf32, #tpu.memory_space<hbm>>
        %dma_wait3A_56 = tpu.memref_slice %arg2[%multiple_of3A] : memref<25600000xf32, #tpu.memory_space<hbm>> -> memref<32000xf32, #tpu.memory_space<hbm>>
        tpu.wait_dma2 semaphore(%run_scoped3A : memref<!tpu.dma_semaphore, #tpu.memory_space<semaphore_mem>>) src(%dma_wait3A_56 : memref<32000xf32, #tpu.memory_space<hbm>>) dst(%arg6 : memref<32000xf32, #tpu.memory_space<vmem>>)
        tpu.yield
      }) : () -> ()
      %jit3A = arith.constant 8 : i32
      %div3A = arith.divsi %add3A_26, %jit3A : i32
      %sign3A = arith.constant 0 : i32
      %sign3A_29 = arith.cmpi sgt, %add3A_26, %sign3A : i32
      %sign3A_30 = arith.extui %sign3A_29 : i1 to i32
      %sign3A_31 = arith.constant 0 : i32
      %sign3A_32 = arith.cmpi slt, %add3A_26, %sign3A_31 : i32
      %sign3A_33 = arith.extui %sign3A_32 : i1 to i32
      %sign3A_34 = arith.subi %sign3A_30, %sign3A_33 : i32
      %sign3A_35 = arith.constant 0 : i32
      %sign3A_36 = arith.cmpi sgt, %jit3A, %sign3A_35 : i32
      %sign3A_37 = arith.extui %sign3A_36 : i1 to i32
      %sign3A_38 = arith.constant 0 : i32
      %sign3A_39 = arith.cmpi slt, %jit3A, %sign3A_38 : i32
      %sign3A_40 = arith.extui %sign3A_39 : i1 to i32
      %sign3A_41 = arith.subi %sign3A_37, %sign3A_40 : i32
      %ne3A = arith.cmpi ne, %sign3A_34, %sign3A_41 : i32
      %rem3A = arith.remsi %add3A_26, %jit3A : i32
      %ne3A_42 = arith.constant 0 : i32
      %ne3A_43 = arith.cmpi ne, %rem3A, %ne3A_42 : i32
      %and3A = arith.andi %ne3A, %ne3A_43 : i1
      %sub3A = arith.constant 1 : i32
      %sub3A_44 = arith.subi %div3A, %sub3A : i32
      %select_n3A = arith.select %and3A, %sub3A_44, %div3A : i32
      %mul3A_45 = arith.constant 8 : i32
      %mul3A_46 = arith.muli %select_n3A, %mul3A_45 : i32
      %multiple_of3A_47 = tpu.assume_multiple %mul3A_46, 8 : i32
      %sub3A_48 = arith.subi %add3A_26, %multiple_of3A_47 : i32
      "tpu.region"() ({
        %run_scoped3A = tpu.sem_alloc : memref<!tpu.dma_semaphore, #tpu.memory_space<semaphore_mem>>
        %dma_start3A = tpu.memref_slice %arg3[%multiple_of3A_47] : memref<100096xi32, #tpu.memory_space<hbm>> -> memref<160xi32, #tpu.memory_space<hbm>>
        %dma_start3A_55 = tpu.memref_slice %arg3[%multiple_of3A_47] : memref<100096xi32, #tpu.memory_space<hbm>> -> memref<160xi32, #tpu.memory_space<hbm>>
        tpu.enqueue_dma source(%dma_start3A_55 : memref<160xi32, #tpu.memory_space<hbm>>) target(%arg7 : memref<160xi32, #tpu.memory_space<vmem>>) target_semaphore(%run_scoped3A : memref<!tpu.dma_semaphore, #tpu.memory_space<semaphore_mem>>)
        %dma_wait3A = tpu.memref_slice %arg3[%multiple_of3A_47] : memref<100096xi32, #tpu.memory_space<hbm>> -> memref<160xi32, #tpu.memory_space<hbm>>
        %dma_wait3A_56 = tpu.memref_slice %arg3[%multiple_of3A_47] : memref<100096xi32, #tpu.memory_space<hbm>> -> memref<160xi32, #tpu.memory_space<hbm>>
        tpu.wait_dma2 semaphore(%run_scoped3A : memref<!tpu.dma_semaphore, #tpu.memory_space<semaphore_mem>>) src(%dma_wait3A_56 : memref<160xi32, #tpu.memory_space<hbm>>) dst(%arg7 : memref<160xi32, #tpu.memory_space<vmem>>)
        tpu.yield
      }) : () -> ()
      %scan3A_49 = arith.constant 0 : i32
      %scan3A_50 = arith.constant 0 : i32
      %scan3A_51 = arith.constant 125 : i32
      %scan3A_52 = arith.addi %scan3A_50, %scan3A_51 : i32
      %scan3A_53 = arith.constant 1 : i32
      scf.for %scan3A_55 = %scan3A_50 to %scan3A_52 step %scan3A_53  : i32 {
        %add3A_56 = arith.addi %sub3A_48, %scan3A_55 : i32
        %get3A = arith.index_cast %add3A_56 : i32 to index
        %get3A_57 = tpu.vector_load %arg7[%get3A] {strides = array<i32>} : memref<160xi32, #tpu.memory_space<vmem>>, vector<16xi32>,
        %get3A_58 = vector.shape_cast %get3A_57 : vector<16xi32> to vector<16xi32>
        %slice3A = vector.extract_strided_slice %get3A_58 {offsets = [0], sizes = [1], strides = [1]} : vector<16xi32> to vector<1xi32>
        %squeeze3A = vector.extract %slice3A[0] : i32 from vector<1xi32>
        %mul3A_59 = arith.constant 256 : i32
        %mul3A_60 = arith.muli %squeeze3A, %mul3A_59 : i32
        %mul3A_61 = arith.constant 256 : i32
        %mul3A_62 = arith.muli %scan3A_55, %mul3A_61 : i32
        %add3A_63 = arith.constant 0 : i32
        %add3A_64 = arith.addi %mul3A_62, %add3A_63 : i32
        %get3A_65 = arith.index_cast %add3A_64 : i32 to index
        %get3A_66 = tpu.vector_load %arg6[%get3A_65] {strides = array<i32>} : memref<32000xf32, #tpu.memory_space<vmem>>, vector<16xf32>,
        %get3A_67 = vector.shape_cast %get3A_66 : vector<16xf32> to vector<16xf32>
        %add3A_68 = arith.constant 0 : i32
        %add3A_69 = arith.addi %mul3A_60, %add3A_68 : i32
        %swap3A = arith.index_cast %add3A_69 : i32 to index
        %swap3A_70 = tpu.vector_load %arg8[%swap3A] {strides = array<i32>} : memref<16384xf32, #tpu.memory_space<vmem>>, vector<16xf32>,
        %swap3A_71 = vector.shape_cast %swap3A_70 : vector<16xf32> to vector<16xf32>
        %swap3A_72 = vector.shape_cast %get3A_67 : vector<16xf32> to vector<16xf32>
        tpu.vector_store %arg8[%swap3A], %swap3A_72 {add = true, strides = array<i32>} : memref<16384xf32, #tpu.memory_space<vmem>>, vector<16xf32>,
        %add3A_73 = arith.constant 16 : i32
        %add3A_74 = arith.addi %mul3A_62, %add3A_73 : i32
        %get3A_75 = arith.index_cast %add3A_74 : i32 to index
        %get3A_76 = tpu.vector_load %arg6[%get3A_75] {strides = array<i32>} : memref<32000xf32, #tpu.memory_space<vmem>>, vector<16xf32>,
        %get3A_77 = vector.shape_cast %get3A_76 : vector<16xf32> to vector<16xf32>
        %add3A_78 = arith.constant 16 : i32
        %add3A_79 = arith.addi %mul3A_60, %add3A_78 : i32
        %swap3A_80 = arith.index_cast %add3A_79 : i32 to index
        %swap3A_81 = tpu.vector_load %arg8[%swap3A_80] {strides = array<i32>} : memref<16384xf32, #tpu.memory_space<vmem>>, vector<16xf32>,
        %swap3A_82 = vector.shape_cast %swap3A_81 : vector<16xf32> to vector<16xf32>
        %swap3A_83 = vector.shape_cast %get3A_77 : vector<16xf32> to vector<16xf32>
        tpu.vector_store %arg8[%swap3A_80], %swap3A_83 {add = true, strides = array<i32>} : memref<16384xf32, #tpu.memory_space<vmem>>, vector<16xf32>,
        %add3A_84 = arith.constant 32 : i32
        %add3A_85 = arith.addi %mul3A_62, %add3A_84 : i32
        %get3A_86 = arith.index_cast %add3A_85 : i32 to index
        %get3A_87 = tpu.vector_load %arg6[%get3A_86] {strides = array<i32>} : memref<32000xf32, #tpu.memory_space<vmem>>, vector<16xf32>,
        %get3A_88 = vector.shape_cast %get3A_87 : vector<16xf32> to vector<16xf32>
        %add3A_89 = arith.constant 32 : i32
        %add3A_90 = arith.addi %mul3A_60, %add3A_89 : i32
        %swap3A_91 = arith.index_cast %add3A_90 : i32 to index
        %swap3A_92 = tpu.vector_load %arg8[%swap3A_91] {strides = array<i32>} : memref<16384xf32, #tpu.memory_space<vmem>>, vector<16xf32>,
        %swap3A_93 = vector.shape_cast %swap3A_92 : vector<16xf32> to vector<16xf32>
        %swap3A_94 = vector.shape_cast %get3A_88 : vector<16xf32> to vector<16xf32>
        tpu.vector_store %arg8[%swap3A_91], %swap3A_94 {add = true, strides = array<i32>} : memref<16384xf32, #tpu.memory_space<vmem>>, vector<16xf32>,
        %add3A_95 = arith.constant 48 : i32
        %add3A_96 = arith.addi %mul3A_62, %add3A_95 : i32
        %get3A_97 = arith.index_cast %add3A_96 : i32 to index
        %get3A_98 = tpu.vector_load %arg6[%get3A_97] {strides = array<i32>} : memref<32000xf32, #tpu.memory_space<vmem>>, vector<16xf32>,
        %get3A_99 = vector.shape_cast %get3A_98 : vector<16xf32> to vector<16xf32>
        %add3A_100 = arith.constant 48 : i32
        %add3A_101 = arith.addi %mul3A_60, %add3A_100 : i32
        %swap3A_102 = arith.index_cast %add3A_101 : i32 to index
        %swap3A_103 = tpu.vector_load %arg8[%swap3A_102] {strides = array<i32>} : memref<16384xf32, #tpu.memory_space<vmem>>, vector<16xf32>,
        %swap3A_104 = vector.shape_cast %swap3A_103 : vector<16xf32> to vector<16xf32>
        %swap3A_105 = vector.shape_cast %get3A_99 : vector<16xf32> to vector<16xf32>
        tpu.vector_store %arg8[%swap3A_102], %swap3A_105 {add = true, strides = array<i32>} : memref<16384xf32, #tpu.memory_space<vmem>>, vector<16xf32>,
        %add3A_106 = arith.constant 64 : i32
        %add3A_107 = arith.addi %mul3A_62, %add3A_106 : i32
        %get3A_108 = arith.index_cast %add3A_107 : i32 to index
        %get3A_109 = tpu.vector_load %arg6[%get3A_108] {strides = array<i32>} : memref<32000xf32, #tpu.memory_space<vmem>>, vector<16xf32>,
        %get3A_110 = vector.shape_cast %get3A_109 : vector<16xf32> to vector<16xf32>
        %add3A_111 = arith.constant 64 : i32
        %add3A_112 = arith.addi %mul3A_60, %add3A_111 : i32
        %swap3A_113 = arith.index_cast %add3A_112 : i32 to index
        %swap3A_114 = tpu.vector_load %arg8[%swap3A_113] {strides = array<i32>} : memref<16384xf32, #tpu.memory_space<vmem>>, vector<16xf32>,
        %swap3A_115 = vector.shape_cast %swap3A_114 : vector<16xf32> to vector<16xf32>
        %swap3A_116 = vector.shape_cast %get3A_110 : vector<16xf32> to vector<16xf32>
        tpu.vector_store %arg8[%swap3A_113], %swap3A_116 {add = true, strides = array<i32>} : memref<16384xf32, #tpu.memory_space<vmem>>, vector<16xf32>,
        %add3A_117 = arith.constant 80 : i32
        %add3A_118 = arith.addi %mul3A_62, %add3A_117 : i32
        %get3A_119 = arith.index_cast %add3A_118 : i32 to index
        %get3A_120 = tpu.vector_load %arg6[%get3A_119] {strides = array<i32>} : memref<32000xf32, #tpu.memory_space<vmem>>, vector<16xf32>,
        %get3A_121 = vector.shape_cast %get3A_120 : vector<16xf32> to vector<16xf32>
        %add3A_122 = arith.constant 80 : i32
        %add3A_123 = arith.addi %mul3A_60, %add3A_122 : i32
        %swap3A_124 = arith.index_cast %add3A_123 : i32 to index
        %swap3A_125 = tpu.vector_load %arg8[%swap3A_124] {strides = array<i32>} : memref<16384xf32, #tpu.memory_space<vmem>>, vector<16xf32>,
        %swap3A_126 = vector.shape_cast %swap3A_125 : vector<16xf32> to vector<16xf32>
        %swap3A_127 = vector.shape_cast %get3A_121 : vector<16xf32> to vector<16xf32>
        tpu.vector_store %arg8[%swap3A_124], %swap3A_127 {add = true, strides = array<i32>} : memref<16384xf32, #tpu.memory_space<vmem>>, vector<16xf32>,
        %add3A_128 = arith.constant 96 : i32
        %add3A_129 = arith.addi %mul3A_62, %add3A_128 : i32
        %get3A_130 = arith.index_cast %add3A_129 : i32 to index
        %get3A_131 = tpu.vector_load %arg6[%get3A_130] {strides = array<i32>} : memref<32000xf32, #tpu.memory_space<vmem>>, vector<16xf32>,
        %get3A_132 = vector.shape_cast %get3A_131 : vector<16xf32> to vector<16xf32>
        %add3A_133 = arith.constant 96 : i32
        %add3A_134 = arith.addi %mul3A_60, %add3A_133 : i32
        %swap3A_135 = arith.index_cast %add3A_134 : i32 to index
        %swap3A_136 = tpu.vector_load %arg8[%swap3A_135] {strides = array<i32>} : memref<16384xf32, #tpu.memory_space<vmem>>, vector<16xf32>,
        %swap3A_137 = vector.shape_cast %swap3A_136 : vector<16xf32> to vector<16xf32>
        %swap3A_138 = vector.shape_cast %get3A_132 : vector<16xf32> to vector<16xf32>
        tpu.vector_store %arg8[%swap3A_135], %swap3A_138 {add = true, strides = array<i32>} : memref<16384xf32, #tpu.memory_space<vmem>>, vector<16xf32>,
        %add3A_139 = arith.constant 112 : i32
        %add3A_140 = arith.addi %mul3A_62, %add3A_139 : i32
        %get3A_141 = arith.index_cast %add3A_140 : i32 to index
        %get3A_142 = tpu.vector_load %arg6[%get3A_141] {strides = array<i32>} : memref<32000xf32, #tpu.memory_space<vmem>>, vector<16xf32>,
        %get3A_143 = vector.shape_cast %get3A_142 : vector<16xf32> to vector<16xf32>
        %add3A_144 = arith.constant 112 : i32
        %add3A_145 = arith.addi %mul3A_60, %add3A_144 : i32
        %swap3A_146 = arith.index_cast %add3A_145 : i32 to index
        %swap3A_147 = tpu.vector_load %arg8[%swap3A_146] {strides = array<i32>} : memref<16384xf32, #tpu.memory_space<vmem>>, vector<16xf32>,
        %swap3A_148 = vector.shape_cast %swap3A_147 : vector<16xf32> to vector<16xf32>
        %swap3A_149 = vector.shape_cast %get3A_143 : vector<16xf32> to vector<16xf32>
        tpu.vector_store %arg8[%swap3A_146], %swap3A_149 {add = true, strides = array<i32>} : memref<16384xf32, #tpu.memory_space<vmem>>, vector<16xf32>,
        %add3A_150 = arith.constant 128 : i32
        %add3A_151 = arith.addi %mul3A_62, %add3A_150 : i32
        %get3A_152 = arith.index_cast %add3A_151 : i32 to index
        %get3A_153 = tpu.vector_load %arg6[%get3A_152] {strides = array<i32>} : memref<32000xf32, #tpu.memory_space<vmem>>, vector<16xf32>,
        %get3A_154 = vector.shape_cast %get3A_153 : vector<16xf32> to vector<16xf32>
        %add3A_155 = arith.constant 128 : i32
        %add3A_156 = arith.addi %mul3A_60, %add3A_155 : i32
        %swap3A_157 = arith.index_cast %add3A_156 : i32 to index
        %swap3A_158 = tpu.vector_load %arg8[%swap3A_157] {strides = array<i32>} : memref<16384xf32, #tpu.memory_space<vmem>>, vector<16xf32>,
        %swap3A_159 = vector.shape_cast %swap3A_158 : vector<16xf32> to vector<16xf32>
        %swap3A_160 = vector.shape_cast %get3A_154 : vector<16xf32> to vector<16xf32>
        tpu.vector_store %arg8[%swap3A_157], %swap3A_160 {add = true, strides = array<i32>} : memref<16384xf32, #tpu.memory_space<vmem>>, vector<16xf32>,
        %add3A_161 = arith.constant 144 : i32
        %add3A_162 = arith.addi %mul3A_62, %add3A_161 : i32
        %get3A_163 = arith.index_cast %add3A_162 : i32 to index
        %get3A_164 = tpu.vector_load %arg6[%get3A_163] {strides = array<i32>} : memref<32000xf32, #tpu.memory_space<vmem>>, vector<16xf32>,
        %get3A_165 = vector.shape_cast %get3A_164 : vector<16xf32> to vector<16xf32>
        %add3A_166 = arith.constant 144 : i32
        %add3A_167 = arith.addi %mul3A_60, %add3A_166 : i32
        %swap3A_168 = arith.index_cast %add3A_167 : i32 to index
        %swap3A_169 = tpu.vector_load %arg8[%swap3A_168] {strides = array<i32>} : memref<16384xf32, #tpu.memory_space<vmem>>, vector<16xf32>,
        %swap3A_170 = vector.shape_cast %swap3A_169 : vector<16xf32> to vector<16xf32>
        %swap3A_171 = vector.shape_cast %get3A_165 : vector<16xf32> to vector<16xf32>
        tpu.vector_store %arg8[%swap3A_168], %swap3A_171 {add = true, strides = array<i32>} : memref<16384xf32, #tpu.memory_space<vmem>>, vector<16xf32>,
        %add3A_172 = arith.constant 160 : i32
        %add3A_173 = arith.addi %mul3A_62, %add3A_172 : i32
        %get3A_174 = arith.index_cast %add3A_173 : i32 to index
        %get3A_175 = tpu.vector_load %arg6[%get3A_174] {strides = array<i32>} : memref<32000xf32, #tpu.memory_space<vmem>>, vector<16xf32>,
        %get3A_176 = vector.shape_cast %get3A_175 : vector<16xf32> to vector<16xf32>
        %add3A_177 = arith.constant 160 : i32
        %add3A_178 = arith.addi %mul3A_60, %add3A_177 : i32
        %swap3A_179 = arith.index_cast %add3A_178 : i32 to index
        %swap3A_180 = tpu.vector_load %arg8[%swap3A_179] {strides = array<i32>} : memref<16384xf32, #tpu.memory_space<vmem>>, vector<16xf32>,
        %swap3A_181 = vector.shape_cast %swap3A_180 : vector<16xf32> to vector<16xf32>
        %swap3A_182 = vector.shape_cast %get3A_176 : vector<16xf32> to vector<16xf32>
        tpu.vector_store %arg8[%swap3A_179], %swap3A_182 {add = true, strides = array<i32>} : memref<16384xf32, #tpu.memory_space<vmem>>, vector<16xf32>,
        %add3A_183 = arith.constant 176 : i32
        %add3A_184 = arith.addi %mul3A_62, %add3A_183 : i32
        %get3A_185 = arith.index_cast %add3A_184 : i32 to index
        %get3A_186 = tpu.vector_load %arg6[%get3A_185] {strides = array<i32>} : memref<32000xf32, #tpu.memory_space<vmem>>, vector<16xf32>,
        %get3A_187 = vector.shape_cast %get3A_186 : vector<16xf32> to vector<16xf32>
        %add3A_188 = arith.constant 176 : i32
        %add3A_189 = arith.addi %mul3A_60, %add3A_188 : i32
        %swap3A_190 = arith.index_cast %add3A_189 : i32 to index
        %swap3A_191 = tpu.vector_load %arg8[%swap3A_190] {strides = array<i32>} : memref<16384xf32, #tpu.memory_space<vmem>>, vector<16xf32>,
        %swap3A_192 = vector.shape_cast %swap3A_191 : vector<16xf32> to vector<16xf32>
        %swap3A_193 = vector.shape_cast %get3A_187 : vector<16xf32> to vector<16xf32>
        tpu.vector_store %arg8[%swap3A_190], %swap3A_193 {add = true, strides = array<i32>} : memref<16384xf32, #tpu.memory_space<vmem>>, vector<16xf32>,
        %add3A_194 = arith.constant 192 : i32
        %add3A_195 = arith.addi %mul3A_62, %add3A_194 : i32
        %get3A_196 = arith.index_cast %add3A_195 : i32 to index
        %get3A_197 = tpu.vector_load %arg6[%get3A_196] {strides = array<i32>} : memref<32000xf32, #tpu.memory_space<vmem>>, vector<16xf32>,
        %get3A_198 = vector.shape_cast %get3A_197 : vector<16xf32> to vector<16xf32>
        %add3A_199 = arith.constant 192 : i32
        %add3A_200 = arith.addi %mul3A_60, %add3A_199 : i32
        %swap3A_201 = arith.index_cast %add3A_200 : i32 to index
        %swap3A_202 = tpu.vector_load %arg8[%swap3A_201] {strides = array<i32>} : memref<16384xf32, #tpu.memory_space<vmem>>, vector<16xf32>,
        %swap3A_203 = vector.shape_cast %swap3A_202 : vector<16xf32> to vector<16xf32>
        %swap3A_204 = vector.shape_cast %get3A_198 : vector<16xf32> to vector<16xf32>
        tpu.vector_store %arg8[%swap3A_201], %swap3A_204 {add = true, strides = array<i32>} : memref<16384xf32, #tpu.memory_space<vmem>>, vector<16xf32>,
        %add3A_205 = arith.constant 208 : i32
        %add3A_206 = arith.addi %mul3A_62, %add3A_205 : i32
        %get3A_207 = arith.index_cast %add3A_206 : i32 to index
        %get3A_208 = tpu.vector_load %arg6[%get3A_207] {strides = array<i32>} : memref<32000xf32, #tpu.memory_space<vmem>>, vector<16xf32>,
        %get3A_209 = vector.shape_cast %get3A_208 : vector<16xf32> to vector<16xf32>
        %add3A_210 = arith.constant 208 : i32
        %add3A_211 = arith.addi %mul3A_60, %add3A_210 : i32
        %swap3A_212 = arith.index_cast %add3A_211 : i32 to index
        %swap3A_213 = tpu.vector_load %arg8[%swap3A_212] {strides = array<i32>} : memref<16384xf32, #tpu.memory_space<vmem>>, vector<16xf32>,
        %swap3A_214 = vector.shape_cast %swap3A_213 : vector<16xf32> to vector<16xf32>
        %swap3A_215 = vector.shape_cast %get3A_209 : vector<16xf32> to vector<16xf32>
        tpu.vector_store %arg8[%swap3A_212], %swap3A_215 {add = true, strides = array<i32>} : memref<16384xf32, #tpu.memory_space<vmem>>, vector<16xf32>,
        %add3A_216 = arith.constant 224 : i32
        %add3A_217 = arith.addi %mul3A_62, %add3A_216 : i32
        %get3A_218 = arith.index_cast %add3A_217 : i32 to index
        %get3A_219 = tpu.vector_load %arg6[%get3A_218] {strides = array<i32>} : memref<32000xf32, #tpu.memory_space<vmem>>, vector<16xf32>,
        %get3A_220 = vector.shape_cast %get3A_219 : vector<16xf32> to vector<16xf32>
        %add3A_221 = arith.constant 224 : i32
        %add3A_222 = arith.addi %mul3A_60, %add3A_221 : i32
        %swap3A_223 = arith.index_cast %add3A_222 : i32 to index
        %swap3A_224 = tpu.vector_load %arg8[%swap3A_223] {strides = array<i32>} : memref<16384xf32, #tpu.memory_space<vmem>>, vector<16xf32>,
        %swap3A_225 = vector.shape_cast %swap3A_224 : vector<16xf32> to vector<16xf32>
        %swap3A_226 = vector.shape_cast %get3A_220 : vector<16xf32> to vector<16xf32>
        tpu.vector_store %arg8[%swap3A_223], %swap3A_226 {add = true, strides = array<i32>} : memref<16384xf32, #tpu.memory_space<vmem>>, vector<16xf32>,
        %add3A_227 = arith.constant 240 : i32
        %add3A_228 = arith.addi %mul3A_62, %add3A_227 : i32
        %get3A_229 = arith.index_cast %add3A_228 : i32 to index
        %get3A_230 = tpu.vector_load %arg6[%get3A_229] {strides = array<i32>} : memref<32000xf32, #tpu.memory_space<vmem>>, vector<16xf32>,
        %get3A_231 = vector.shape_cast %get3A_230 : vector<16xf32> to vector<16xf32>
        %add3A_232 = arith.constant 240 : i32
        %add3A_233 = arith.addi %mul3A_60, %add3A_232 : i32
        %swap3A_234 = arith.index_cast %add3A_233 : i32 to index
        %swap3A_235 = tpu.vector_load %arg8[%swap3A_234] {strides = array<i32>} : memref<16384xf32, #tpu.memory_space<vmem>>, vector<16xf32>,
        %swap3A_236 = vector.shape_cast %swap3A_235 : vector<16xf32> to vector<16xf32>
        %swap3A_237 = vector.shape_cast %get3A_231 : vector<16xf32> to vector<16xf32>
        tpu.vector_store %arg8[%swap3A_234], %swap3A_237 {add = true, strides = array<i32>} : memref<16384xf32, #tpu.memory_space<vmem>>, vector<16xf32>,
        %mul3A_238 = arith.constant 16 : i32
        %mul3A_239 = arith.muli %squeeze3A, %mul3A_238 : i32
        %swap3A_240 = arith.index_cast %mul3A_239 : i32 to index
        %swap3A_241 = tpu.vector_load %arg9[%swap3A_240] {strides = array<i32>} : memref<1024xf32, #tpu.memory_space<vmem>>, vector<16xf32>,
        %swap3A_242 = vector.shape_cast %swap3A_241 : vector<16xf32> to vector<16xf32>
        %swap3A_243 = vector.shape_cast %broadcast_in_dim3A_3 : vector<16xf32> to vector<16xf32>
        tpu.vector_store %arg9[%swap3A_240], %swap3A_243 {add = true, strides = array<i32>} : memref<1024xf32, #tpu.memory_space<vmem>>, vector<16xf32>,
      }
      %scan3A_54 = arith.constant 125 : i32
    }
    %scan3A_22 = arith.constant 25 : i32
    "tpu.region"() ({
      %run_scoped3A = tpu.sem_alloc : memref<!tpu.dma_semaphore, #tpu.memory_space<semaphore_mem>>
      %dma_start3A = arith.constant 0 : i32
      %dma_start3A_23 = tpu.memref_slice %arg4[%add3A, %dma_start3A] : memref<32x16384xf32, #tpu.memory_space<hbm>> -> memref<1x16384xf32, #tpu.memory_space<hbm>>
      %dma_start3A_24 = tpu.memref_squeeze %dma_start3A_23 : memref<1x16384xf32, #tpu.memory_space<hbm>> -> memref<16384xf32, #tpu.memory_space<hbm>>
      %dma_start3A_25 = arith.constant 0 : i32
      %dma_start3A_26 = tpu.memref_slice %arg4[%add3A, %dma_start3A_25] : memref<32x16384xf32, #tpu.memory_space<hbm>> -> memref<1x16384xf32, #tpu.memory_space<hbm>>
      %dma_start3A_27 = tpu.memref_squeeze %dma_start3A_26 : memref<1x16384xf32, #tpu.memory_space<hbm>> -> memref<16384xf32, #tpu.memory_space<hbm>>
      tpu.enqueue_dma source(%arg8 : memref<16384xf32, #tpu.memory_space<vmem>>) target(%dma_start3A_27 : memref<16384xf32, #tpu.memory_space<hbm>>) target_semaphore(%run_scoped3A : memref<!tpu.dma_semaphore, #tpu.memory_space<semaphore_mem>>)
      %dma_wait3A = arith.constant 0 : i32
      %dma_wait3A_28 = tpu.memref_slice %arg4[%add3A, %dma_wait3A] : memref<32x16384xf32, #tpu.memory_space<hbm>> -> memref<1x16384xf32, #tpu.memory_space<hbm>>
      %dma_wait3A_29 = tpu.memref_squeeze %dma_wait3A_28 : memref<1x16384xf32, #tpu.memory_space<hbm>> -> memref<16384xf32, #tpu.memory_space<hbm>>
      %dma_wait3A_30 = arith.constant 0 : i32
      %dma_wait3A_31 = tpu.memref_slice %arg4[%add3A, %dma_wait3A_30] : memref<32x16384xf32, #tpu.memory_space<hbm>> -> memref<1x16384xf32, #tpu.memory_space<hbm>>
      %dma_wait3A_32 = tpu.memref_squeeze %dma_wait3A_31 : memref<1x16384xf32, #tpu.memory_space<hbm>> -> memref<16384xf32, #tpu.memory_space<hbm>>
      tpu.wait_dma2 semaphore(%run_scoped3A : memref<!tpu.dma_semaphore, #tpu.memory_space<semaphore_mem>>) src(%arg8 : memref<16384xf32, #tpu.memory_space<vmem>>) dst(%dma_wait3A_32 : memref<16384xf32, #tpu.memory_space<hbm>>)
      tpu.yield
    }) : () -> ()
    "tpu.region"() ({
      %run_scoped3A = tpu.sem_alloc : memref<!tpu.dma_semaphore, #tpu.memory_space<semaphore_mem>>
      %dma_start3A = arith.constant 0 : i32
      %dma_start3A_23 = tpu.memref_slice %arg5[%add3A, %dma_start3A] : memref<32x1024xf32, #tpu.memory_space<hbm>> -> memref<1x1024xf32, #tpu.memory_space<hbm>>
      %dma_start3A_24 = tpu.memref_squeeze %dma_start3A_23 : memref<1x1024xf32, #tpu.memory_space<hbm>> -> memref<1024xf32, #tpu.memory_space<hbm>>
      %dma_start3A_25 = arith.constant 0 : i32
      %dma_start3A_26 = tpu.memref_slice %arg5[%add3A, %dma_start3A_25] : memref<32x1024xf32, #tpu.memory_space<hbm>> -> memref<1x1024xf32, #tpu.memory_space<hbm>>
      %dma_start3A_27 = tpu.memref_squeeze %dma_start3A_26 : memref<1x1024xf32, #tpu.memory_space<hbm>> -> memref<1024xf32, #tpu.memory_space<hbm>>
      tpu.enqueue_dma source(%arg9 : memref<1024xf32, #tpu.memory_space<vmem>>) target(%dma_start3A_27 : memref<1024xf32, #tpu.memory_space<hbm>>) target_semaphore(%run_scoped3A : memref<!tpu.dma_semaphore, #tpu.memory_space<semaphore_mem>>)
      %dma_wait3A = arith.constant 0 : i32
      %dma_wait3A_28 = tpu.memref_slice %arg5[%add3A, %dma_wait3A] : memref<32x1024xf32, #tpu.memory_space<hbm>> -> memref<1x1024xf32, #tpu.memory_space<hbm>>
      %dma_wait3A_29 = tpu.memref_squeeze %dma_wait3A_28 : memref<1x1024xf32, #tpu.memory_space<hbm>> -> memref<1024xf32, #tpu.memory_space<hbm>>
      %dma_wait3A_30 = arith.constant 0 : i32
      %dma_wait3A_31 = tpu.memref_slice %arg5[%add3A, %dma_wait3A_30] : memref<32x1024xf32, #tpu.memory_space<hbm>> -> memref<1x1024xf32, #tpu.memory_space<hbm>>
      %dma_wait3A_32 = tpu.memref_squeeze %dma_wait3A_31 : memref<1x1024xf32, #tpu.memory_space<hbm>> -> memref<1024xf32, #tpu.memory_space<hbm>>
      tpu.wait_dma2 semaphore(%run_scoped3A : memref<!tpu.dma_semaphore, #tpu.memory_space<semaphore_mem>>) src(%arg9 : memref<1024xf32, #tpu.memory_space<vmem>>) dst(%dma_wait3A_32 : memref<1024xf32, #tpu.memory_space<hbm>>)
      tpu.yield
    }) : () -> ()
    return
  }
}

module attributes {stable_mosaic.version = 14 : i64} {
  func.func @_mlp_body(%arg0: memref<32x64x256xf32, #tpu.memory_space<vmem>>, %arg1: memref<32x64x16xf32, #tpu.memory_space<vmem>>, %arg2: memref<16x256xf32, #tpu.memory_space<vmem>>, %arg3: memref<256x16xf32, #tpu.memory_space<vmem>>, %arg4: memref<64x256xf32, #tpu.memory_space<vmem>>, %arg5: memref<8x128xi32, #tpu.memory_space<vmem>>) attributes {dimension_semantics = [], scalar_prefetch = 0 : i64, scratch_operands = 0 : i64, tpu.core_type = #tpu.core_type<tc>} {
    %get3A = arith.constant 0 : index
    %get3A_0 = arith.constant 0 : index
    %get3A_1 = arith.constant 0 : index
    %get3A_2 = vector.load %arg0[%get3A, %get3A_0, %get3A_1] : memref<32x64x256xf32, #tpu.memory_space<vmem>>, vector<32x64x256xf32>
    %reduce_sum3A = arith.constant dense<0.000000e+00> : vector<64x256xf32>
    %reduce_sum3A_3 = vector.multi_reduction <add>, %get3A_2, %reduce_sum3A [0] : vector<32x64x256xf32> to vector<64x256xf32>
    %get3A_4 = arith.constant 0 : index
    %get3A_5 = arith.constant 0 : index
    %get3A_6 = arith.constant 0 : index
    %get3A_7 = vector.load %arg1[%get3A_4, %get3A_5, %get3A_6] : memref<32x64x16xf32, #tpu.memory_space<vmem>>, vector<32x64x16xf32>
    %reduce_sum3A_8 = arith.constant dense<0.000000e+00> : vector<64x16xf32>
    %reduce_sum3A_9 = vector.multi_reduction <add>, %get3A_7, %reduce_sum3A_8 [0] : vector<32x64x16xf32> to vector<64x16xf32>
    %slice3A = vector.extract_strided_slice %reduce_sum3A_9 {offsets = [0, 0], sizes = [64, 1], strides = [1, 1]} : vector<64x16xf32> to vector<64x1xf32>
    %max3A = arith.constant 1.000000e+00 : f32
    %max3A_10 = vector.broadcast %max3A : f32 to vector<64x1xf32>
    %max3A_11 = arith.maximumf %slice3A, %max3A_10 : vector<64x1xf32>
    %div3A = arith.constant 1.000000e+00 : f32
    %div3A_12 = vector.broadcast %div3A : f32 to vector<64x1xf32>
    %div3A_13 = arith.divf %div3A_12, %max3A_11 : vector<64x1xf32>
    %mul3A = vector.broadcast %div3A_13 : vector<64x1xf32> to vector<64x256xf32>
    %mul3A_14 = arith.mulf %reduce_sum3A_3, %mul3A : vector<64x256xf32>
    %get3A_15 = arith.constant 0 : index
    %get3A_16 = arith.constant 0 : index
    %get3A_17 = vector.load %arg2[%get3A_15, %get3A_16] : memref<16x256xf32, #tpu.memory_space<vmem>>, vector<16x256xf32>
    %dot_general3A = arith.constant dense<0.000000e+00> : vector<64x16xf32>
    %dot_general3A_18 = tpu.matmul %mul3A_14, %get3A_17, %dot_general3A {dimension_numbers = #tpu.dot_dimension_numbers<[1], [1], [0], [0], [0, 0, 1, 0], [], []>, transpose_lhs_hint = false} : vector<64x256xf32>, vector<16x256xf32>, vector<64x16xf32> -> vector<64x16xf32>
    %max3A_19 = arith.constant 0.000000e+00 : f32
    %max3A_20 = vector.broadcast %max3A_19 : f32 to vector<64x16xf32>
    %max3A_21 = arith.maximumf %dot_general3A_18, %max3A_20 : vector<64x16xf32>
    %get3A_22 = arith.constant 0 : index
    %get3A_23 = arith.constant 0 : index
    %get3A_24 = vector.load %arg3[%get3A_22, %get3A_23] : memref<256x16xf32, #tpu.memory_space<vmem>>, vector<256x16xf32>
    %dot_general3A_25 = arith.constant dense<0.000000e+00> : vector<64x256xf32>
    %dot_general3A_26 = tpu.matmul %max3A_21, %get3A_24, %dot_general3A_25 {dimension_numbers = #tpu.dot_dimension_numbers<[1], [1], [0], [0], [0, 0, 1, 0], [], []>, transpose_lhs_hint = false} : vector<64x16xf32>, vector<256x16xf32>, vector<64x256xf32> -> vector<64x256xf32>
    %neg3A = arith.constant 0.000000e+00 : f32
    %neg3A_27 = vector.broadcast %neg3A : f32 to vector<64x256xf32>
    %neg3A_28 = arith.subf %neg3A_27, %dot_general3A_26 : vector<64x256xf32>
    %exp3A = math.exp %neg3A_28 : vector<64x256xf32>
    %add3A = arith.constant 1.000000e+00 : f32
    %add3A_29 = vector.broadcast %add3A : f32 to vector<64x256xf32>
    %add3A_30 = arith.addf %add3A_29, %exp3A : vector<64x256xf32>
    %div3A_31 = arith.constant 1.000000e+00 : f32
    %div3A_32 = vector.broadcast %div3A_31 : f32 to vector<64x256xf32>
    %div3A_33 = arith.divf %div3A_32, %add3A_30 : vector<64x256xf32>
    %swap3A = arith.constant 0 : index
    %swap3A_34 = arith.constant 0 : index
    %swap3A_35 = vector.load %arg4[%swap3A, %swap3A_34] : memref<64x256xf32, #tpu.memory_space<vmem>>, vector<64x256xf32>
    tpu.vector_store %arg4[%swap3A, %swap3A_34], %div3A_33 {strides = array<i32>} : memref<64x256xf32, #tpu.memory_space<vmem>>, vector<64x256xf32>,
    %iota3A = tpu.iota {dimensions = array<i32: 0>} : vector<64x128xi32>
    %iota3A_36 = tpu.iota {dimensions = array<i32: 1>} : vector<64x128xi32>
    %lt3A = arith.cmpi slt, %iota3A, %iota3A_36 : vector<64x128xi32>
    %jit3A = arith.constant 0.000000e+00 : f32
    %broadcast_in_dim3A = vector.shape_cast %slice3A : vector<64x1xf32> to vector<64x1xf32>
    %broadcast_in_dim3A_37 = vector.broadcast %broadcast_in_dim3A : vector<64x1xf32> to vector<64x128xf32>
    %broadcast_in_dim3A_38 = vector.broadcast %jit3A : f32 to vector<64x128xf32>
    %select_n3A = arith.select %lt3A, %broadcast_in_dim3A_37, %broadcast_in_dim3A_38 : vector<64x128xi1>, vector<64x128xf32>
    %reduce_sum3A_39 = arith.constant dense<0.000000e+00> : vector<128xf32>
    %reduce_sum3A_40 = vector.multi_reduction <add>, %select_n3A, %reduce_sum3A_39 [0] : vector<64x128xf32> to vector<128xf32>
    %broadcast_in_dim3A_41 = vector.shape_cast %reduce_sum3A_40 : vector<128xf32> to vector<1x128xf32>
    %broadcast_in_dim3A_42 = vector.shape_cast %broadcast_in_dim3A_41 : vector<1x128xf32> to vector<1x128xf32>
    %broadcast_in_dim3A_43 = vector.broadcast %broadcast_in_dim3A_42 : vector<1x128xf32> to vector<8x128xf32>
    %convert_element_type3A = arith.fptosi %broadcast_in_dim3A_43 : vector<8x128xf32> to vector<8x128xi32>
    %swap3A_44 = arith.constant 0 : index
    %swap3A_45 = arith.constant 0 : index
    %swap3A_46 = vector.load %arg5[%swap3A_44, %swap3A_45] : memref<8x128xi32, #tpu.memory_space<vmem>>, vector<8x128xi32>
    tpu.vector_store %arg5[%swap3A_44, %swap3A_45], %convert_element_type3A {strides = array<i32>} : memref<8x128xi32, #tpu.memory_space<vmem>>, vector<8x128xi32>,
    return
  }
}

</mosaic_0001>

<sc_bundles>
// kernel: kernel.5.cloned.1.call-start
scs
__scs_entry_jumppad:
0x0: {  	(pc) =	sbr.rel $0x88, $3  }
0x1: {  	(tag) =	ssettag $0x0;
	lr =	simm.s32 $0x1  }
0x2: {  	[smem:$0x3F9D] =	sst lr;
	_ =	strace $0xD0000000  }
0x3: {  	_ = 	snop  }
0x4: {  	_ = 	snop  }
0x5: {  	_ = 	snop  }
0x6: {  	_ = 	snop  }
0x7: {  	_ = 	snop  }
__scs_overlays_trampoline_lowered:
0x8: {  	[smem:$0x3FAC] =	sst s0  }
0x9: {  	[smem:$0x3FAD] =	sst s1  }
0xa: {  	[smem:$0x3FAE] =	sst s2  }
0xb: {  	[smem:$0x3FAF] =	sst s3  }
0xc: {  	[smem:$0x3FB0] =	sst s4  }
0xd: {  	[smem:$0x3FB1] =	sst s5  }
0xe: {  	[smem:$0x3FB2] =	sst s6  }
0xf: {  	[smem:$0x3FB3] =	sst s7  }
0x10: {  	[smem:$0x3FB4] =	sst s8  }
0x11: {  	[smem:$0x3FB5] =	sst s9;
	s0 =	simm.s32 @!p0 $0x0  }
0x12: {  	s1 =	sld [smem:$0x3F9B];
	s0 =	simm.s32 @p0 $0x1  }
0x13: {  	[smem:$0x3FB6] =	sst s0;
	s0 =	simm.s32 @!p1 $0x0  }
0x14: {  	s2 =	sld [smem:$0x3F9A];
	s0 =	simm.s32 @p1 $0x1  }
0x15: {  	[smem:$0x3FB7] =	sst s0;
	s0 =	simm.s32 @!p2 $0x0  }
0x16: {  	s3 =	sld [smem:$0x3FDB];
	s0 =	simm.s32 @p2 $0x1  }
0x17: {  	s4 =	simm.s32 $0x1BF5;
	[smem:$0x3FB9] =	sst s0  }
0x18: {  	s0 =	sld [smem:$0x3F9C];
	_ =	swait.ge [sflag:s4], $0x0  }
0x19: {  	s7 =	sld [smem:$0x3F9D]  }
0x1a: {  	s8 =	sadd.s32 $0xFFFFE003, lr  }
0x1b: {  	s9 =	sadd.s32 $0xFFFFFEF7, lr;
	s5 =	simm.s32 $0xFFFFFFFF;
	p2 =	slt.u32 s8, $0xFFFFF086  }
0x1c: {  	p1 =	slt.u32 s9, $0xF7A;
	s5 =	simm.s32 @!p2 $0x0  }
0x1d: {  	s5 =	simm.s32 @p1 $0x1;
	p0 =	seq.s32 s7, s2  }
0x1e: {  	s7 =	smul.u32 @!p0 $0xF7A, s2;
	p2 =	seq.s32 @!p0 s5, $0x0  }
0x1f: {  	s9 =	smul.u32 $0xF7A, s1;
	s8 =	simm.s32 @!p0 $0x1BF5;
	p2 =	por !p2, p0  }
0x20: {  	[sflag:s8] =	ssyncset.s32 @!p0 $0xFFFFF086;
	s6 =	sadd.s32 @!p0 s3, s7;
	s7 =	simm.s32 @!p0 $0x108  }
0x21: {  	s3 =	sadd.s32 s3, s9;
	s6 =	sadd.s32 @!p0 $0x88, s6;
	s7 =	simm.s32 @p2 $0x1082  }
0x22: {  	[simem:s7], [sflag:s8] =	dma.local @!p0 [hbm:s6], $0xF7A  }
0x23: {  	s9 =	sor.u32 $0xD0000000, s2;
	s6 =	simm.s32 $0x108;
	_ =	swait.ge @!p0 [sflag:s8], $0x0  }
0x24: {  	s3 =	sadd.s32 $0x88, s3;
	s6 =	simm.s32 @!p1 $0x1082;
	[sflag:s4] =	ssyncset.s32 $0xFFFFF086  }
0x25: {  	[simem:s6], [sflag:s4] =	dma.local [hbm:s3], $0xF7A  }
0x26: {  	[smem:$0x3F9D] =	sst s1;
	(tag) =	ssettag s2;
	_ =	strace s9  }
0x27: {  	s1 =	sld [smem:$0x3FAD]  }
0x28: {  	s2 =	sld [smem:$0x3FAE]  }
0x29: {  	s4 =	sld [smem:$0x3FB0]  }
0x2a: {  	p0 =	seq.s32 s5, $0x0;
	s5 =	sld [smem:$0x3FB1]  }
0x2b: {  	s6 =	sld [smem:$0x3FB2]  }
0x2c: {  	s7 =	sld [smem:$0x3FB3]  }
0x2d: {  	s3 =	simm.s32 $0x108;
	s8 =	sld [smem:$0x3FB4]  }
0x2e: {  	s3 =	simm.s32 @!p0 $0x1082;
	s9 =	sld [smem:$0x3FB5]  }
0x2f: {  	lr =	sadd.s32 s0, s3;
	s0 =	sld [smem:$0x3FAC]  }
0x30: {  	s3 =	sld [smem:$0x3FAF]  }
0x31: {  	[smem:$0x3FB8] =	sst s10  }
0x32: {  	s10 =	sld [smem:$0x3FB6];
	_ =	sdelay $0x3  }
0x33: {  	p0 =	seq.s32 s10, $0x1;
	s10 =	sld [smem:$0x3FB8];
	_ =	sdelay $0x3  }
0x34: {  	[smem:$0x3FB8] =	sst s10  }
0x35: {  	s10 =	sld [smem:$0x3FB7];
	_ =	sdelay $0x3  }
0x36: {  	p1 =	seq.s32 s10, $0x1;
	s10 =	sld [smem:$0x3FB8];
	_ =	sdelay $0x3  }
0x37: {  	[smem:$0x3FB8] =	sst s10  }
0x38: {  	s10 =	sld [smem:$0x3FB9]  }
0x39: {  	_ = 	snop;
	(pc) =	sbr.ind lr, $3  }
0x3a: {  	_ = 	snop  }
0x3b: {  	_ = 	snop  }
0x3c: {  	p2 =	seq.s32 s10, $0x1;
	s10 =	sld [smem:$0x3FB8]  }
0x3d: {  	_ =	shalt  }
0x3e: {  	_ =	shalt  }
0x3f: {  	_ =	shalt  }
0x40: {  	_ =	shalt  }
0x41: {  	_ =	shalt  }
0x42: {  	_ =	shalt  }
0x43: {  	_ =	shalt  }
0x44: {  	_ =	shalt  }
0x45: {  	_ =	shalt  }
0x46: {  	_ =	shalt  }
0x47: {  	_ =	shalt  }
0x48: {  	_ =	shalt  }
0x49: {  	_ =	shalt  }
0x4a: {  	_ =	shalt  }
0x4b: {  	_ =	shalt  }
0x4c: {  	_ =	shalt  }
0x4d: {  	_ =	shalt  }
0x4e: {  	_ =	shalt  }
0x4f: {  	_ =	shalt  }
0x50: {  	_ =	shalt  }
0x51: {  	_ =	shalt  }
0x52: {  	_ =	shalt  }
0x53: {  	_ =	shalt  }
0x54: {  	_ =	shalt  }
0x55: {  	_ =	shalt  }
0x56: {  	_ =	shalt  }
0x57: {  	_ =	shalt  }
0x58: {  	_ =	shalt  }
0x59: {  	_ =	shalt  }
0x5a: {  	_ =	shalt  }
0x5b: {  	_ =	shalt  }
0x5c: {  	_ =	shalt  }
0x5d: {  	_ =	shalt  }
0x5e: {  	_ =	shalt  }
0x5f: {  	_ =	shalt  }
0x60: {  	_ =	shalt  }
0x61: {  	_ =	shalt  }
0x62: {  	_ =	shalt  }
0x63: {  	_ =	shalt  }
0x64: {  	_ =	shalt  }
0x65: {  	_ =	shalt  }
0x66: {  	_ =	shalt  }
0x67: {  	_ =	shalt  }
0x68: {  	_ =	shalt  }
0x69: {  	_ =	shalt  }
0x6a: {  	_ =	shalt  }
0x6b: {  	_ =	shalt  }
0x6c: {  	_ =	shalt  }
0x6d: {  	_ =	shalt  }
0x6e: {  	_ =	shalt  }
0x6f: {  	_ =	shalt  }
0x70: {  	_ =	shalt  }
0x71: {  	_ =	shalt  }
0x72: {  	_ =	shalt  }
0x73: {  	_ =	shalt  }
0x74: {  	_ =	shalt  }
0x75: {  	_ =	shalt  }
0x76: {  	_ =	shalt  }
0x77: {  	_ =	shalt  }
0x78: {  	_ =	shalt  }
0x79: {  	_ =	shalt  }
0x7a: {  	_ =	shalt  }
0x7b: {  	_ =	shalt  }
0x7c: {  	_ =	shalt  }
0x7d: {  	_ =	shalt  }
0x7e: {  	_ =	shalt  }
0x7f: {  	_ =	shalt  }
0x80: {  	_ =	shalt  }
0x81: {  	_ =	shalt  }
0x82: {  	_ =	shalt  }
0x83: {  	_ =	shalt  }
0x84: {  	_ =	shalt  }
0x85: {  	_ =	shalt  }
0x86: {  	_ =	shalt  }
0x87: {  	_ =	shalt  }
.Lfunc_end0:
.L_simem_size_0:
called_computation.1_lowered:
.L_overlay_start_0:
0x88: {  	s2 =	sld [smem:$0x3FD9]  }
0x89: {  	s3 =	sld [smem:$0x3FFE];
	_ =	sdelay $0x1  }
0x8a: {  	s1 =	srdreg.scid  }
0x8b: {  	s0 =	sand.u32 $0x1, s1  }
0x8c: {  	s17 =	sshll.u32 s0, $0xA;
	s2 =	sadd.s32 s3, s2  }
0x8d: {  	s2 =	sadd.s32 s2, s17  }
0x8e: {  	[smem:$0x3FC4] =	sst s2  }
0x8f: {  	_ = 	snop  }
0x90: {  	s2 =	sld [smem:$0x3FD0];
	(tm) =	ssettm $0x1  }
0x91: {  	s18 =	sld [smem:$0x3FFB];
	_ =	sdelay $0x3  }
0x92: {  	_ =	strace s18  }
0x93: {  	s3 =	sld [smem:$0x3FFC];
	_ =	sdelay $0x3  }
0x94: {  	_ =	strace s3  }
0x95: {  	s3 =	sld [smem:$0x3FFD];
	_ =	sdelay $0x3  }
0x96: {  	_ =	strace s3  }
0x97: {  	_ =	strace $0x8FFFFFFF  }
0x98: {  	s19 =	sld [smem:$0x3FDB];
	_ =	sdelay $0x1  }
0x99: {  	s4 =	simm.s32 $_scs_section_size  }
0x9a: {  	s5 =	simm.s32 $_size__tile_overlayer_lowered;
	s6 =	simm.s32 $_tile_overlayer_lowered  }
0x9b: {  	s22 =	simm.s32 $0x1BFF;
	s21 =	sshll.u32 s6, $0x1;
	s3 =	sadd.s32 s4, s19  }
0x9c: {  	s7 =	simm.s32 $0x0;
	s20 =	sshll.u32 s5, $0x1;
	s5 =	sadd.s32 s21, s3  }
0x9d: {  	[timem:s7], [sflag:s22] =	dma.local [hbm:s5], s20  }
0x9e: {  	_ =	swait.ge [sflag:s22], s20  }
0x9f: {  	s4 =	ssub.s32 $0x0, s20;
	[sflag:s22] =	ssyncset.done $0x0  }
0xa0: {  	[sflag:s22] =	ssyncadd.s32 s4;
	_ =	sdelay $0x1  }
0xa1: {  	s23 =	simm.s32 $0x1B8B  }
0xa2: {  	_ =	swait.ge [sflag:s23], $0x1  }
0xa3: {  	[sflag:s23] =	ssyncset.done $0x0  }
0xa4: {  	s25 =	simm.s32 $0x1B8E;
	s24 =	sld [smem:$0x3FFE];
	[sflag:s23] =	ssyncadd.s32 $0xFFFFFFFF  }
0xa5: {  	s26 =	simm.s32 $execute0_lowered;
	[smem:$0x3FD2] =	sst s25  }
0xa6: {  	s5 =	sshll.u32 s26, $0x1;
	_ =	strace $0x80000049;
	[dreg:$0x1] =	wrdreg $0xFFFFFFFF  }
0xa7: {  	s28 =	simm.s32 $_size_execute0_lowered;
	s3 =	sadd.s32 s3, s5;
	[dreg:$0x0] =	wrdreg $0x0  }
0xa8: {  	s5 =	sshll.u32 s28, $0x1;
	[dreg:$0x2] =	wrdreg s3  }
0xa9: {  	[dreg:$0x3] =	wrdreg s5  }
0xaa: {  	[dreg:$0x4] =	wrdreg $0xC0  }
0xab: {  	_ =	task [dreg:s7], $0x5FFFF  }
0xac: {  	[dreg:$0x1] =	wrdreg $0xFFFFFFFF  }
0xad: {  	[dreg:$0x0] =	wrdreg $0x60  }
0xae: {  	[dreg:$0x2] =	wrdreg s2  }
0xaf: {  	[dreg:$0x3] =	wrdreg s24  }
0xb0: {  	[dreg:$0x4] =	wrdreg $0x9  }
0xb1: {  	_ =	task.clear_ibuf [dreg:s7], $0x5FFFF;
	_ =	strace $0x90000049  }
0xb2: {  	s29 =	simm.s32 $0x9;
	_ =	strace $0x8000004B  }
0xb3: {  	_ =	swait.ge [sflag:s29], $0x1  }
0xb4: {  	[sflag:s29] =	ssyncadd.s32 $0xFFFFFFFF  }
0xb5: {  	_ =	strace $0x9000004B  }
0xb6: {  	_ =	sfence  }
0xb7: {  	s30 =	sld [smem:$0x0];
	_ =	sdelay $0x2  }
0xb8: {  	s31 =	sshll.u32 s1, $0xD;
	s1 =	sshrl.u32 s1, $0x2  }
0xb9: {  	s3 =	sand.u32 $0x4000, s31;
	s1 =	sadd.s32 s1, s30  }
0xba: {  	s0 =	sor.u32 s3, s0;
	s1 =	sshll.u32 s1, $0x11  }
0xbb: {  	s0 =	sor.u32 s1, s0  }
0xbc: {  	s0 =	sadd.s32 $0x8F2B, s0  }
0xbd: {  	[sflag:s0] =	ssyncadd.remote.s32 $0x1  }
0xbe: {  	_ =	sfence.sel $0xFFFF  }
0xbf: {  	[dreg:$0x0] =	wrdreg $0xFFFFFFFF;
	(pc) =	sbr.abs _section_cstart, $3  }
0xc0: {  	[dreg:$0x1] =	wrdreg $0xFFFFFFFF  }
0xc1: {  	_ =	task.clear_ibuf [dreg:s7], $0x2FFFF;
	_ =	strace $0x9FFFFFFF  }
0xc2: {  	(tm) =	ssettm $0x7FFFFFFF  }
0xc3: {  	_ =	shalt  }
tec
execute0_lowered:
.L_overlay_start_1:
0x0: {  	(tag) =	ssettag $0x1  }
0x1: {  	s2 =	rddreg [dreg:$0x0];
	s1 =	srdreg.scid  }
0x2: {  	s0 =	stileid.u32;
	s5 =	rddreg [dreg:$0x1];
	s3 =	simm.s32 $0x0  }
0x3: {  	s13 =	simm.s32 $0x400;
	s14 =	simm.s32 $0x7E00;
	s15 =	simm.s32 $0xBE00  }
0x4: {  	s6 =	sand.u32 $0x1, s1;
	s9 =	sshll.u32 s0, $0x1;
	s1 =	rddreg [dreg:$0x2]  }
0x5: {  	s4 =	sshrl.u32 s0, $0x2;
	[smem:$0x7FF] =	sst s3;
	s7 =	sor.u32 s6, s9  }
0x6: {  	s10 =	sshll.u32 s4, $0x11;
	_ =	strace $0x8000004A;
	s11 =	sshll.u32 s4, $0xD  }
0x7: {  	s30 =	ssub.s32 $0x2, s6;
	s12 =	smul.u32 $0x3, s6;
	s8 =	sshll.u32 s7, $0x7  }
0x8: {  	s4 =	sadd.s32 $0x1A00, s5;
	s31 =	sshrl.u32 s30, $0x1;
	s8 =	sand.u32 $0x380, s8  }
0x9: {  	s9 =	ssub.s32 s9, s12;
	s10 =	sor.u32 s10, s8;
	s8 =	sor.u32 s11, s8  }
0xa: {  	s12 =	simm.s32 $0x80;
	s10 =	sshrl.u32 s10, $0x3;
	s8 =	sshrl.u32 s8, $0x3  }
0xb: {  	s11 =	ssub.s32 s30, s31;
	s10 =	sadd.s32 s10, s5;
	s8 =	sadd.s32 s8, s5  }
0xc: {  	s5 =	smul.u32 $0xC35, s7;
	s6 =	sadd.s32 $0x4C00, s10;
	s7 =	sadd.s32 $0x14C00, s8  }
0xd: {  	v0 =	vimm.f32 $0.0e+00;
	v1 =	vimm.f32 $1.000000000e+00;
	s8 =	smax.u32 s11, $0x1;
	s10 =	simm.s32 $0x1;
	s11 =	simm.s32 $0x7D00  }
.LBB2_1:
0xe: {  	s16 =	simm.s32 $0x40;
	s17 =	simm.s32 $0x0  }
.LBB2_2:
0xf: {  	p0 =	sne.s32 s16, $0xFFC0;
	[tilespmem:s17+$0x7E00] =	vst v0;
	s17 =	smov.u32 s16;
	s16 =	sadd.s32 $0x40, s16  }
.Ltmp0:
0x10: {  	(pc) =	sbr.rel @p0 .LBB2_2-.Ltmp0, $2  }
0x11: {  	_ =	sdelay $0x2  }
0x12: {  	s17 =	sshra.s32 s17, $0x2  }
0x13: {  	[tilespmem:s17+$0x7E00] =	vst v0;
	s16 =	simm.s32 $0x0;
	s17 =	simm.s32 $0x40;
	s18 =	simm.s32 $0x0  }
.LBB2_4:
0x14: {  	p0 =	sne.s32 s17, $0xFC0;
	[tilespmem:s18+$0xBE00] =	vst v0;
	s18 =	smov.u32 s17;
	s17 =	sadd.s32 $0x40, s17  }
.Ltmp1:
0x15: {  	(pc) =	sbr.rel @p0 .LBB2_4-.Ltmp1, $2  }
0x16: {  	_ =	sdelay $0x2  }
0x17: {  	s18 =	sshra.s32 s18, $0x2  }
0x18: {  	[tilespmem:s18+$0xBE00] =	vst v0;
	s17 =	smov.u32 s9  }
.LBB2_6:
0x19: {  	s18 =	smul.u32 $0x7D, s16;
	_ =	sdelay $0x1  }
0x1a: {  	s18 =	sadd.s32 s5, s18  }
0x1b: {  	s19 =	sshll.u32 s18, $0x5  }
0x1c: {  	s20 =	simm.s32 $0x0;
	s19 =	sadd.s32 s2, s19  }
0x1d: {  	[tilespmem:s20], [sflag:$0x1] =	stream.linear.gather [hbm4b:s19+s20], $0x7D00, $0x38;
	[tilespmem:$0xC200] =	vst v63  }
0x1e: {  	s26 =	sand.u32 $0x7, s17;
	_ =	swait.ge [sflag:s10], $0x7D00  }
0x1f: {  	s18 =	sshrl.u32 s18, $0x3;
	s19 =	sor.u32 $0x7D00, s26;
	[sflag:s10] =	ssyncset.done $0x0  }
0x20: {  	s18 =	sadd.s32 s4, s18;
	v2 =	vmov s19;
	[sflag:s10] =	ssyncadd.s32 $0xFFFF8300  }
0x21: {  	[tilespmem:s11], [sflag:$0x1] =	stream.linear.gather [hbm4b:s18+s20], $0xA0, $0x38;
	[tilespmem:$0xC200] =	vst v63  }
0x22: {  	_ =	swait.ge [sflag:s10], $0xA0  }
0x23: {  	[sflag:s10] =	ssyncset.done $0x0  }
0x24: {  	s28 =	simm.s32 $0x0;
	[sflag:s10] =	ssyncadd.s32 $0xFFFFFF60  }
0x25: {  	v3 =	vld.idx.msk [tilespmem:v2+s28+$0x0 ss:$0x1], $0xffff;
	_ =	sdelay $0x4  }
0x26: {  	(v2sf) =	vpush v3, $0x0;
	_ =	sdelay $0xb  }
0x27: {  	s18 =	simm.s32 $0x80  }
0x28: {  	v3 =	vld [tilespmem:s18+$0xFFFFFF80];
	_ =	sdelay $0x1  }
0x29: {  	s29 =	spop (v2sf)  }
0x2a: {  	s30 =	sshll.u32 s29, $0xA  }
0x2b: {  	s20 =	sshra.s32 s30, $0x2  }
0x2c: {  	[tilespmem:s20+$0x7E00] =	vst.add.f32.msk $0xffff, v3  }
0x2d: {  	v3 =	vld [tilespmem:s18+$0xFFFFFF90];
	_ =	sdelay $0x4  }
0x2e: {  	[tilespmem:s20+$0x7E10] =	vst.add.f32.msk $0xffff, v3  }
0x2f: {  	v3 =	vld [tilespmem:s18+$0xFFFFFFA0];
	_ =	sdelay $0x4  }
0x30: {  	[tilespmem:s20+$0x7E20] =	vst.add.f32.msk $0xffff, v3  }
0x31: {  	v3 =	vld [tilespmem:s18+$0xFFFFFFB0];
	_ =	sdelay $0x4  }
0x32: {  	[tilespmem:s20+$0x7E30] =	vst.add.f32.msk $0xffff, v3  }
0x33: {  	v3 =	vld [tilespmem:s18+$0xFFFFFFC0];
	_ =	sdelay $0x4  }
0x34: {  	[tilespmem:s20+$0x7E40] =	vst.add.f32.msk $0xffff, v3  }
0x35: {  	v3 =	vld [tilespmem:s18+$0xFFFFFFD0];
	_ =	sdelay $0x4  }
0x36: {  	[tilespmem:s20+$0x7E50] =	vst.add.f32.msk $0xffff, v3  }
0x37: {  	v3 =	vld [tilespmem:s18+$0xFFFFFFE0];
	_ =	sdelay $0x4  }
0x38: {  	[tilespmem:s20+$0x7E60] =	vst.add.f32.msk $0xffff, v3  }
0x39: {  	v3 =	vld [tilespmem:s18+$0xFFFFFFF0];
	_ =	sdelay $0x4  }
0x3a: {  	[tilespmem:s20+$0x7E70] =	vst.add.f32.msk $0xffff, v3  }
0x3b: {  	v3 =	vld [tilespmem:s18+$0x0];
	_ =	sdelay $0x4  }
0x3c: {  	[tilespmem:s20+$0x7E80] =	vst.add.f32.msk $0xffff, v3  }
0x3d: {  	v3 =	vld [tilespmem:s18+$0x10];
	_ =	sdelay $0x4  }
0x3e: {  	[tilespmem:s20+$0x7E90] =	vst.add.f32.msk $0xffff, v3  }
0x3f: {  	v3 =	vld [tilespmem:s18+$0x20];
	_ =	sdelay $0x4  }
0x40: {  	[tilespmem:s20+$0x7EA0] =	vst.add.f32.msk $0xffff, v3  }
0x41: {  	v3 =	vld [tilespmem:s18+$0x30];
	_ =	sdelay $0x4  }
0x42: {  	[tilespmem:s20+$0x7EB0] =	vst.add.f32.msk $0xffff, v3  }
0x43: {  	v3 =	vld [tilespmem:s18+$0x40];
	_ =	sdelay $0x4  }
0x44: {  	[tilespmem:s20+$0x7EC0] =	vst.add.f32.msk $0xffff, v3  }
0x45: {  	v3 =	vld [tilespmem:s18+$0x50];
	_ =	sdelay $0x4  }
0x46: {  	[tilespmem:s20+$0x7ED0] =	vst.add.f32.msk $0xffff, v3  }
0x47: {  	v3 =	vld [tilespmem:s18+$0x60];
	_ =	sdelay $0x4  }
0x48: {  	[tilespmem:s20+$0x7EE0] =	vst.add.f32.msk $0xffff, v3  }
0x49: {  	v3 =	vld [tilespmem:s18+$0x70];
	_ =	sdelay $0x3  }
0x4a: {  	s19 =	sshll.u32 s29, $0x6  }
0x4b: {  	s19 =	sshra.s32 s19, $0x2;
	[tilespmem:s20+$0x7EF0] =	vst.add.f32.msk $0xffff, v3  }
0x4c: {  	s31 =	simm.s32 $0x1;
	[tilespmem:s19+$0xBE00] =	vst.add.f32.msk $0xffff, v1  }
0x4d: {  	s19 =	simm.s32 $0x8;
	v3 =	vld.idx.msk [tilespmem:v2+s31+$0x0 ss:$0x1], $0xffff  }
.LBB2_7:
0x4e: {  	p0 =	sne.s32 s19, $0x1F0;
	_ =	sdelay $0x4  }
0x4f: {  	(v2sf) =	vpush v3, $0x0;
	_ =	sdelay $0xb  }
0x50: {  	s18 =	sadd.s32 $0x100, s18  }
0x51: {  	v3 =	vld [tilespmem:s18+$0xFFFFFF80];
	_ =	sdelay $0x1  }
0x52: {  	s20 =	spop (v2sf)  }
0x53: {  	s21 =	sshll.u32 s20, $0xA;
	s20 =	sshll.u32 s20, $0x6  }
0x54: {  	s21 =	sshra.s32 s21, $0x2  }
0x55: {  	[tilespmem:s21+$0x7E00] =	vst.add.f32.msk $0xffff, v3  }
0x56: {  	v3 =	vld [tilespmem:s18+$0xFFFFFF90];
	_ =	sdelay $0x4  }
0x57: {  	[tilespmem:s21+$0x7E10] =	vst.add.f32.msk $0xffff, v3  }
0x58: {  	v3 =	vld [tilespmem:s18+$0xFFFFFFA0];
	_ =	sdelay $0x4  }
0x59: {  	[tilespmem:s21+$0x7E20] =	vst.add.f32.msk $0xffff, v3  }
0x5a: {  	v3 =	vld [tilespmem:s18+$0xFFFFFFB0];
	_ =	sdelay $0x4  }
0x5b: {  	[tilespmem:s21+$0x7E30] =	vst.add.f32.msk $0xffff, v3  }
0x5c: {  	v3 =	vld [tilespmem:s18+$0xFFFFFFC0];
	_ =	sdelay $0x4  }
0x5d: {  	[tilespmem:s21+$0x7E40] =	vst.add.f32.msk $0xffff, v3  }
0x5e: {  	v3 =	vld [tilespmem:s18+$0xFFFFFFD0];
	_ =	sdelay $0x4  }
0x5f: {  	[tilespmem:s21+$0x7E50] =	vst.add.f32.msk $0xffff, v3  }
0x60: {  	v3 =	vld [tilespmem:s18+$0xFFFFFFE0];
	_ =	sdelay $0x4  }
0x61: {  	[tilespmem:s21+$0x7E60] =	vst.add.f32.msk $0xffff, v3  }
0x62: {  	v3 =	vld [tilespmem:s18+$0xFFFFFFF0];
	_ =	sdelay $0x4  }
0x63: {  	[tilespmem:s21+$0x7E70] =	vst.add.f32.msk $0xffff, v3  }
0x64: {  	v3 =	vld [tilespmem:s18+$0x0];
	_ =	sdelay $0x4  }
0x65: {  	[tilespmem:s21+$0x7E80] =	vst.add.f32.msk $0xffff, v3  }
0x66: {  	v3 =	vld [tilespmem:s18+$0x10];
	_ =	sdelay $0x4  }
0x67: {  	[tilespmem:s21+$0x7E90] =	vst.add.f32.msk $0xffff, v3  }
0x68: {  	v3 =	vld [tilespmem:s18+$0x20];
	_ =	sdelay $0x4  }
0x69: {  	[tilespmem:s21+$0x7EA0] =	vst.add.f32.msk $0xffff, v3  }
0x6a: {  	v3 =	vld [tilespmem:s18+$0x30];
	_ =	sdelay $0x4  }
0x6b: {  	[tilespmem:s21+$0x7EB0] =	vst.add.f32.msk $0xffff, v3  }
0x6c: {  	v3 =	vld [tilespmem:s18+$0x40];
	_ =	sdelay $0x4  }
0x6d: {  	[tilespmem:s21+$0x7EC0] =	vst.add.f32.msk $0xffff, v3  }
0x6e: {  	v3 =	vld [tilespmem:s18+$0x50];
	_ =	sdelay $0x4  }
0x6f: {  	[tilespmem:s21+$0x7ED0] =	vst.add.f32.msk $0xffff, v3  }
0x70: {  	v3 =	vld [tilespmem:s18+$0x60];
	_ =	sdelay $0x4  }
0x71: {  	[tilespmem:s21+$0x7EE0] =	vst.add.f32.msk $0xffff, v3  }
0x72: {  	v3 =	vld [tilespmem:s18+$0x70];
	_ =	sdelay $0x2  }
.Ltmp2:
0x73: {  	(pc) =	sbr.rel @p0 .LBB2_7-.Ltmp2, $4  }
0x74: {  	_ = 	snop  }
0x75: {  	s20 =	sshra.s32 s20, $0x2;
	[tilespmem:s21+$0x7EF0] =	vst.add.f32.msk $0xffff, v3  }
0x76: {  	s21 =	sshra.s32 s19, $0x2;
	[tilespmem:s20+$0xBE00] =	vst.add.f32.msk $0xffff, v1  }
0x77: {  	s19 =	sadd.s32 $0x4, s19;
	v3 =	vld.idx.msk [tilespmem:v2+s21+$0x0 ss:$0x1], $0xffff  }
0x78: {  	_ =	sdelay $0x3  }
0x79: {  	(v2sf) =	vpush v3, $0x0;
	_ =	sdelay $0xb  }
0x7a: {  	s18 =	sadd.s32 $0x100, s18  }
0x7b: {  	v2 =	vld [tilespmem:s18+$0xFFFFFF80];
	_ =	sdelay $0x1  }
0x7c: {  	s19 =	spop (v2sf)  }
0x7d: {  	s20 =	sshll.u32 s19, $0xA  }
0x7e: {  	s20 =	sshra.s32 s20, $0x2  }
0x7f: {  	[tilespmem:s20+$0x7E00] =	vst.add.f32.msk $0xffff, v2  }
0x80: {  	v2 =	vld [tilespmem:s18+$0xFFFFFF90];
	_ =	sdelay $0x4  }
0x81: {  	[tilespmem:s20+$0x7E10] =	vst.add.f32.msk $0xffff, v2  }
0x82: {  	v2 =	vld [tilespmem:s18+$0xFFFFFFA0];
	_ =	sdelay $0x4  }
0x83: {  	[tilespmem:s20+$0x7E20] =	vst.add.f32.msk $0xffff, v2  }
0x84: {  	v2 =	vld [tilespmem:s18+$0xFFFFFFB0];
	_ =	sdelay $0x4  }
0x85: {  	[tilespmem:s20+$0x7E30] =	vst.add.f32.msk $0xffff, v2  }
0x86: {  	v2 =	vld [tilespmem:s18+$0xFFFFFFC0];
	_ =	sdelay $0x4  }
0x87: {  	[tilespmem:s20+$0x7E40] =	vst.add.f32.msk $0xffff, v2  }
0x88: {  	v2 =	vld [tilespmem:s18+$0xFFFFFFD0];
	_ =	sdelay $0x4  }
0x89: {  	[tilespmem:s20+$0x7E50] =	vst.add.f32.msk $0xffff, v2  }
0x8a: {  	v2 =	vld [tilespmem:s18+$0xFFFFFFE0];
	_ =	sdelay $0x4  }
0x8b: {  	[tilespmem:s20+$0x7E60] =	vst.add.f32.msk $0xffff, v2  }
0x8c: {  	v2 =	vld [tilespmem:s18+$0xFFFFFFF0];
	_ =	sdelay $0x4  }
0x8d: {  	[tilespmem:s20+$0x7E70] =	vst.add.f32.msk $0xffff, v2  }
0x8e: {  	v2 =	vld [tilespmem:s18+$0x0];
	_ =	sdelay $0x4  }
0x8f: {  	[tilespmem:s20+$0x7E80] =	vst.add.f32.msk $0xffff, v2  }
0x90: {  	v2 =	vld [tilespmem:s18+$0x10];
	_ =	sdelay $0x4  }
0x91: {  	[tilespmem:s20+$0x7E90] =	vst.add.f32.msk $0xffff, v2  }
0x92: {  	v2 =	vld [tilespmem:s18+$0x20];
	_ =	sdelay $0x4  }
0x93: {  	[tilespmem:s20+$0x7EA0] =	vst.add.f32.msk $0xffff, v2  }
0x94: {  	v2 =	vld [tilespmem:s18+$0x30];
	_ =	sdelay $0x4  }
0x95: {  	[tilespmem:s20+$0x7EB0] =	vst.add.f32.msk $0xffff, v2  }
0x96: {  	v2 =	vld [tilespmem:s18+$0x40];
	_ =	sdelay $0x4  }
0x97: {  	[tilespmem:s20+$0x7EC0] =	vst.add.f32.msk $0xffff, v2  }
0x98: {  	v2 =	vld [tilespmem:s18+$0x50];
	_ =	sdelay $0x4  }
0x99: {  	[tilespmem:s20+$0x7ED0] =	vst.add.f32.msk $0xffff, v2  }
0x9a: {  	v2 =	vld [tilespmem:s18+$0x60];
	_ =	sdelay $0x4  }
0x9b: {  	[tilespmem:s20+$0x7EE0] =	vst.add.f32.msk $0xffff, v2  }
0x9c: {  	s16 =	sadd.s32 $0x1, s16;
	v2 =	vld [tilespmem:s18+$0x70]  }
0x9d: {  	p0 =	sne.s32 s16, $0x19  }
.Ltmp3:
0x9e: {  	_ = 	snop;
	(pc) =	sbr.rel @p0 .LBB2_6-.Ltmp3, $4  }
0x9f: {  	_ = 	snop  }
0xa0: {  	s31 =	sshll.u32 s19, $0x6  }
0xa1: {  	s18 =	sshra.s32 s31, $0x2;
	[tilespmem:s20+$0x7EF0] =	vst.add.f32.msk $0xffff, v2  }
0xa2: {  	s17 =	sadd.s32 $0x5, s17;
	[tilespmem:s18+$0xBE00] =	vst.add.f32.msk $0xffff, v1  }
0xa3: {  	[hbm4b:s6+s12] =	stream.strided.scatter [tilespmem:s14], [sflag:$0x1], $0x4000, s13, s12, $0x38;
	[tilespmem:$0xC200] =	vst v63  }
0xa4: {  	s3 =	sadd.s32 $0x1, s3;
	_ =	swait.ge [sflag:s10], $0x4000  }
0xa5: {  	p0 =	sne.s32 s3, s8;
	[sflag:s10] =	ssyncset.done $0x0  }
.Ltmp4:
0xa6: {  	[sflag:s10] =	ssyncadd.s32 $0xFFFFC000;
	(pc) =	sbr.rel @p0 .LBB2_1-.Ltmp4, $4  }
0xa7: {  	[hbm4b:s7+s12] =	stream.strided.scatter [tilespmem:s15], [sflag:$0x1], $0x400, s13, s12, $0x38;
	[tilespmem:$0xC200] =	vst v63  }
0xa8: {  	_ =	swait.ge [sflag:s10], $0x400  }
0xa9: {  	[sflag:s10] =	ssyncset.done $0x0  }
0xaa: {  	[sflag:s10] =	ssyncadd.s32 $0xFFFFFC00  }
0xab: {  	_ =	sfence.sel $0x180000  }
0xac: {  	[bflag:$0x0] =	sbarrier.arrive $0xFFFF  }
0xad: {  	p0 =	sne.s32 s0, $0x0;
	_ =	strace $0x9000004A  }
0xae: {  	s0 =	sadd.s32 @!p0 $0x100000, s1;
	[bflag:$0x2] =	sbarrier.arrive $0xFFFF  }
0xaf: {  	[sflag:s0] =	ssyncadd.tile.s32 @!p0 $0x1;
	_ =	shalt  }
.Lfunc_end2:
_tile_overlayer_lowered:
.L_overlay_start_2:
0xb0: {  	(tag) =	ssettag $0x2  }
0xb1: {  	s0 =	rddreg [dreg:$0x0];
	s2 =	stileid.u32  }
0xb2: {  	s1 =	rddreg [dreg:$0x1];
	p0 =	sne.s32 s2, $0x0  }
0xb3: {  	s3 =	rddreg [dreg:$0x2];
	[bflag:$0x3] =	sbarrier.arrive $0xFFFF;
	s2 =	simm.s32 @!p0 $0x1C01  }
0xb4: {  	[timem:s3], [sflag:s2] =	dma.local @!p0 [hbm:s0], s1  }
0xb5: {  	s0 =	simm.s32 @!p0 $0x1  }
0xb6: {  	_ =	swait.ge @!p0 [sflag:s0], s1  }
0xb7: {  	s1 =	ssub.s32 @!p0 $0x0, s1;
	[sflag:s0] =	ssyncset.done @!p0 $0x0  }
0xb8: {  	[sflag:s0] =	ssyncadd.s32 @!p0 s1  }
0xb9: {  	[bflag:$0x3] =	sbarrier.arrive $0xFFFF  }
0xba: {  	_ =	shalt  }

// kernel: kernel.8.cloned.1.call-start
scs
__scs_entry_jumppad:
0x0: {  	(pc) =	sbr.rel $0x88, $3  }
0x1: {  	(tag) =	ssettag $0x0;
	lr =	simm.s32 $0x1  }
0x2: {  	[smem:$0x3F9D] =	sst lr;
	_ =	strace $0xD0000000  }
0x3: {  	_ = 	snop  }
0x4: {  	_ = 	snop  }
0x5: {  	_ = 	snop  }
0x6: {  	_ = 	snop  }
0x7: {  	_ = 	snop  }
__scs_overlays_trampoline_lowered:
0x8: {  	[smem:$0x3FAC] =	sst s0  }
0x9: {  	[smem:$0x3FAD] =	sst s1  }
0xa: {  	[smem:$0x3FAE] =	sst s2  }
0xb: {  	[smem:$0x3FAF] =	sst s3  }
0xc: {  	[smem:$0x3FB0] =	sst s4  }
0xd: {  	[smem:$0x3FB1] =	sst s5  }
0xe: {  	[smem:$0x3FB2] =	sst s6  }
0xf: {  	[smem:$0x3FB3] =	sst s7  }
0x10: {  	[smem:$0x3FB4] =	sst s8  }
0x11: {  	[smem:$0x3FB5] =	sst s9;
	s0 =	simm.s32 @!p0 $0x0  }
0x12: {  	s1 =	sld [smem:$0x3F9B];
	s0 =	simm.s32 @p0 $0x1  }
0x13: {  	[smem:$0x3FB6] =	sst s0;
	s0 =	simm.s32 @!p1 $0x0  }
0x14: {  	s2 =	sld [smem:$0x3F9A];
	s0 =	simm.s32 @p1 $0x1  }
0x15: {  	[smem:$0x3FB7] =	sst s0;
	s0 =	simm.s32 @!p2 $0x0  }
0x16: {  	s3 =	sld [smem:$0x3FDB];
	s0 =	simm.s32 @p2 $0x1  }
0x17: {  	s4 =	simm.s32 $0x1BF5;
	[smem:$0x3FB9] =	sst s0  }
0x18: {  	s0 =	sld [smem:$0x3F9C];
	_ =	swait.ge [sflag:s4], $0x0  }
0x19: {  	s7 =	sld [smem:$0x3F9D]  }
0x1a: {  	s8 =	sadd.s32 $0xFFFFE003, lr  }
0x1b: {  	s9 =	sadd.s32 $0xFFFFFEF7, lr;
	s5 =	simm.s32 $0xFFFFFFFF;
	p2 =	slt.u32 s8, $0xFFFFF086  }
0x1c: {  	p1 =	slt.u32 s9, $0xF7A;
	s5 =	simm.s32 @!p2 $0x0  }
0x1d: {  	s5 =	simm.s32 @p1 $0x1;
	p0 =	seq.s32 s7, s2  }
0x1e: {  	s7 =	smul.u32 @!p0 $0xF7A, s2;
	p2 =	seq.s32 @!p0 s5, $0x0  }
0x1f: {  	s9 =	smul.u32 $0xF7A, s1;
	s8 =	simm.s32 @!p0 $0x1BF5;
	p2 =	por !p2, p0  }
0x20: {  	[sflag:s8] =	ssyncset.s32 @!p0 $0xFFFFF086;
	s6 =	sadd.s32 @!p0 s3, s7;
	s7 =	simm.s32 @!p0 $0x108  }
0x21: {  	s3 =	sadd.s32 s3, s9;
	s6 =	sadd.s32 @!p0 $0x88, s6;
	s7 =	simm.s32 @p2 $0x1082  }
0x22: {  	[simem:s7], [sflag:s8] =	dma.local @!p0 [hbm:s6], $0xF7A  }
0x23: {  	s9 =	sor.u32 $0xD0000000, s2;
	s6 =	simm.s32 $0x108;
	_ =	swait.ge @!p0 [sflag:s8], $0x0  }
0x24: {  	s3 =	sadd.s32 $0x88, s3;
	s6 =	simm.s32 @!p1 $0x1082;
	[sflag:s4] =	ssyncset.s32 $0xFFFFF086  }
0x25: {  	[simem:s6], [sflag:s4] =	dma.local [hbm:s3], $0xF7A  }
0x26: {  	[smem:$0x3F9D] =	sst s1;
	(tag) =	ssettag s2;
	_ =	strace s9  }
0x27: {  	s1 =	sld [smem:$0x3FAD]  }
0x28: {  	s2 =	sld [smem:$0x3FAE]  }
0x29: {  	s4 =	sld [smem:$0x3FB0]  }
0x2a: {  	p0 =	seq.s32 s5, $0x0;
	s5 =	sld [smem:$0x3FB1]  }
0x2b: {  	s6 =	sld [smem:$0x3FB2]  }
0x2c: {  	s7 =	sld [smem:$0x3FB3]  }
0x2d: {  	s3 =	simm.s32 $0x108;
	s8 =	sld [smem:$0x3FB4]  }
0x2e: {  	s3 =	simm.s32 @!p0 $0x1082;
	s9 =	sld [smem:$0x3FB5]  }
0x2f: {  	lr =	sadd.s32 s0, s3;
	s0 =	sld [smem:$0x3FAC]  }
0x30: {  	s3 =	sld [smem:$0x3FAF]  }
0x31: {  	[smem:$0x3FB8] =	sst s10  }
0x32: {  	s10 =	sld [smem:$0x3FB6];
	_ =	sdelay $0x3  }
0x33: {  	p0 =	seq.s32 s10, $0x1;
	s10 =	sld [smem:$0x3FB8];
	_ =	sdelay $0x3  }
0x34: {  	[smem:$0x3FB8] =	sst s10  }
0x35: {  	s10 =	sld [smem:$0x3FB7];
	_ =	sdelay $0x3  }
0x36: {  	p1 =	seq.s32 s10, $0x1;
	s10 =	sld [smem:$0x3FB8];
	_ =	sdelay $0x3  }
0x37: {  	[smem:$0x3FB8] =	sst s10  }
0x38: {  	s10 =	sld [smem:$0x3FB9]  }
0x39: {  	_ = 	snop;
	(pc) =	sbr.ind lr, $3  }
0x3a: {  	_ = 	snop  }
0x3b: {  	_ = 	snop  }
0x3c: {  	p2 =	seq.s32 s10, $0x1;
	s10 =	sld [smem:$0x3FB8]  }
0x3d: {  	_ =	shalt  }
0x3e: {  	_ =	shalt  }
0x3f: {  	_ =	shalt  }
0x40: {  	_ =	shalt  }
0x41: {  	_ =	shalt  }
0x42: {  	_ =	shalt  }
0x43: {  	_ =	shalt  }
0x44: {  	_ =	shalt  }
0x45: {  	_ =	shalt  }
0x46: {  	_ =	shalt  }
0x47: {  	_ =	shalt  }
0x48: {  	_ =	shalt  }
0x49: {  	_ =	shalt  }
0x4a: {  	_ =	shalt  }
0x4b: {  	_ =	shalt  }
0x4c: {  	_ =	shalt  }
0x4d: {  	_ =	shalt  }
0x4e: {  	_ =	shalt  }
0x4f: {  	_ =	shalt  }
0x50: {  	_ =	shalt  }
0x51: {  	_ =	shalt  }
0x52: {  	_ =	shalt  }
0x53: {  	_ =	shalt  }
0x54: {  	_ =	shalt  }
0x55: {  	_ =	shalt  }
0x56: {  	_ =	shalt  }
0x57: {  	_ =	shalt  }
0x58: {  	_ =	shalt  }
0x59: {  	_ =	shalt  }
0x5a: {  	_ =	shalt  }
0x5b: {  	_ =	shalt  }
0x5c: {  	_ =	shalt  }
0x5d: {  	_ =	shalt  }
0x5e: {  	_ =	shalt  }
0x5f: {  	_ =	shalt  }
0x60: {  	_ =	shalt  }
0x61: {  	_ =	shalt  }
0x62: {  	_ =	shalt  }
0x63: {  	_ =	shalt  }
0x64: {  	_ =	shalt  }
0x65: {  	_ =	shalt  }
0x66: {  	_ =	shalt  }
0x67: {  	_ =	shalt  }
0x68: {  	_ =	shalt  }
0x69: {  	_ =	shalt  }
0x6a: {  	_ =	shalt  }
0x6b: {  	_ =	shalt  }
0x6c: {  	_ =	shalt  }
0x6d: {  	_ =	shalt  }
0x6e: {  	_ =	shalt  }
0x6f: {  	_ =	shalt  }
0x70: {  	_ =	shalt  }
0x71: {  	_ =	shalt  }
0x72: {  	_ =	shalt  }
0x73: {  	_ =	shalt  }
0x74: {  	_ =	shalt  }
0x75: {  	_ =	shalt  }
0x76: {  	_ =	shalt  }
0x77: {  	_ =	shalt  }
0x78: {  	_ =	shalt  }
0x79: {  	_ =	shalt  }
0x7a: {  	_ =	shalt  }
0x7b: {  	_ =	shalt  }
0x7c: {  	_ =	shalt  }
0x7d: {  	_ =	shalt  }
0x7e: {  	_ =	shalt  }
0x7f: {  	_ =	shalt  }
0x80: {  	_ =	shalt  }
0x81: {  	_ =	shalt  }
0x82: {  	_ =	shalt  }
0x83: {  	_ =	shalt  }
0x84: {  	_ =	shalt  }
0x85: {  	_ =	shalt  }
0x86: {  	_ =	shalt  }
0x87: {  	_ =	shalt  }
.Lfunc_end0:
.L_simem_size_0:
called_computation.2_lowered:
.L_overlay_start_0:
0x88: {  	s2 =	sld [smem:$0x3FD9]  }
0x89: {  	s3 =	sld [smem:$0x3FFE];
	_ =	sdelay $0x1  }
0x8a: {  	s1 =	srdreg.scid  }
0x8b: {  	s0 =	sand.u32 $0x1, s1  }
0x8c: {  	s17 =	sshll.u32 s0, $0xA;
	s2 =	sadd.s32 s3, s2  }
0x8d: {  	s2 =	sadd.s32 s2, s17  }
0x8e: {  	[smem:$0x3FC4] =	sst s2  }
0x8f: {  	_ = 	snop  }
0x90: {  	s2 =	sld [smem:$0x3FD0];
	(tm) =	ssettm $0x1  }
0x91: {  	s18 =	sld [smem:$0x3FFB];
	_ =	sdelay $0x3  }
0x92: {  	_ =	strace s18  }
0x93: {  	s3 =	sld [smem:$0x3FFC];
	_ =	sdelay $0x3  }
0x94: {  	_ =	strace s3  }
0x95: {  	s3 =	sld [smem:$0x3FFD];
	_ =	sdelay $0x3  }
0x96: {  	_ =	strace s3  }
0x97: {  	_ =	strace $0x8FFFFFFF  }
0x98: {  	s19 =	sld [smem:$0x3FDB];
	_ =	sdelay $0x1  }
0x99: {  	s4 =	simm.s32 $_scs_section_size  }
0x9a: {  	s5 =	simm.s32 $_size__tile_overlayer_lowered;
	s6 =	simm.s32 $_tile_overlayer_lowered  }
0x9b: {  	s22 =	simm.s32 $0x1BFF;
	s21 =	sshll.u32 s6, $0x1;
	s3 =	sadd.s32 s4, s19  }
0x9c: {  	s7 =	simm.s32 $0x0;
	s20 =	sshll.u32 s5, $0x1;
	s5 =	sadd.s32 s21, s3  }
0x9d: {  	[timem:s7], [sflag:s22] =	dma.local [hbm:s5], s20  }
0x9e: {  	_ =	swait.ge [sflag:s22], s20  }
0x9f: {  	s4 =	ssub.s32 $0x0, s20;
	[sflag:s22] =	ssyncset.done $0x0  }
0xa0: {  	[sflag:s22] =	ssyncadd.s32 s4;
	_ =	sdelay $0x1  }
0xa1: {  	s23 =	simm.s32 $0x1B8B  }
0xa2: {  	_ =	swait.ge [sflag:s23], $0x1  }
0xa3: {  	[sflag:s23] =	ssyncset.done $0x0  }
0xa4: {  	s25 =	simm.s32 $0x1B8E;
	s24 =	sld [smem:$0x3FFE];
	[sflag:s23] =	ssyncadd.s32 $0xFFFFFFFF  }
0xa5: {  	s26 =	simm.s32 $execute0_lowered;
	[smem:$0x3FD2] =	sst s25  }
0xa6: {  	s5 =	sshll.u32 s26, $0x1;
	_ =	strace $0x8000004C;
	[dreg:$0x1] =	wrdreg $0xFFFFFFFF  }
0xa7: {  	s28 =	simm.s32 $_size_execute0_lowered;
	s3 =	sadd.s32 s3, s5;
	[dreg:$0x0] =	wrdreg $0x0  }
0xa8: {  	s5 =	sshll.u32 s28, $0x1;
	[dreg:$0x2] =	wrdreg s3  }
0xa9: {  	[dreg:$0x3] =	wrdreg s5  }
0xaa: {  	[dreg:$0x4] =	wrdreg $0xC0  }
0xab: {  	_ =	task [dreg:s7], $0x5FFFF  }
0xac: {  	[dreg:$0x1] =	wrdreg $0xFFFFFFFF  }
0xad: {  	[dreg:$0x0] =	wrdreg $0x60  }
0xae: {  	[dreg:$0x2] =	wrdreg s2  }
0xaf: {  	[dreg:$0x3] =	wrdreg s24  }
0xb0: {  	[dreg:$0x4] =	wrdreg $0x9  }
0xb1: {  	_ =	task.clear_ibuf [dreg:s7], $0x5FFFF;
	_ =	strace $0x9000004C  }
0xb2: {  	s29 =	simm.s32 $0x9;
	_ =	strace $0x8000004E  }
0xb3: {  	_ =	swait.ge [sflag:s29], $0x1  }
0xb4: {  	[sflag:s29] =	ssyncadd.s32 $0xFFFFFFFF  }
0xb5: {  	_ =	strace $0x9000004E  }
0xb6: {  	_ =	sfence  }
0xb7: {  	s30 =	sld [smem:$0x0];
	_ =	sdelay $0x2  }
0xb8: {  	s31 =	sshll.u32 s1, $0xD;
	s1 =	sshrl.u32 s1, $0x2  }
0xb9: {  	s3 =	sand.u32 $0x4000, s31;
	s1 =	sadd.s32 s1, s30  }
0xba: {  	s0 =	sor.u32 s3, s0;
	s1 =	sshll.u32 s1, $0x11  }
0xbb: {  	s0 =	sor.u32 s1, s0  }
0xbc: {  	s0 =	sadd.s32 $0x8F2B, s0  }
0xbd: {  	[sflag:s0] =	ssyncadd.remote.s32 $0x1  }
0xbe: {  	_ =	sfence.sel $0xFFFF  }
0xbf: {  	[dreg:$0x0] =	wrdreg $0xFFFFFFFF;
	(pc) =	sbr.abs _section_cstart, $3  }
0xc0: {  	[dreg:$0x1] =	wrdreg $0xFFFFFFFF  }
0xc1: {  	_ =	task.clear_ibuf [dreg:s7], $0x2FFFF;
	_ =	strace $0x9FFFFFFF  }
0xc2: {  	(tm) =	ssettm $0x7FFFFFFF  }
0xc3: {  	_ =	shalt  }
tec
execute0_lowered:
.L_overlay_start_1:
0x0: {  	(tag) =	ssettag $0x1  }
0x1: {  	s1 =	rddreg [dreg:$0x0]  }
0x2: {  	s6 =	rddreg [dreg:$0x1]  }
0x3: {  	s0 =	rddreg [dreg:$0x2];
	s2 =	simm.s32 $0x0;
	s3 =	srdreg.scid  }
0x4: {  	s13 =	simm.s32 $0xBD00;
	[smem:$0x7FF] =	sst s2;
	s7 =	sand.u32 $0x1, s3  }
0x5: {  	s14 =	simm.s32 $0x0;
	s3 =	stileid.u32;
	s9 =	smul.u32 $0xFFFFF3CB, s7  }
0x6: {  	s4 =	sadd.s32 $0x1C00, s6;
	s5 =	sadd.s32 $0x1A00, s6;
	s12 =	smul.u32 $0x186A, s3  }
.Ltmp0:
0x7: {  	s6 =	sadd.s32 $0x2400, s6;
	_ =	strace $0x8000004D;
	(pc) =	sbr.rel .LBB2_1-.Ltmp0, $4  }
0x8: {  	s8 =	ssub.s32 $0x2, s7;
	s11 =	sshll.u32 s3, $0x1;
	s31 =	smul.u32 $0xC35, s7  }
0x9: {  	s10 =	sshrl.u32 s8, $0x1;
	s30 =	sor.u32 s7, s11;
	s11 =	simm.s32 $0x7D00  }
0xa: {  	s8 =	ssub.s32 s8, s10;
	s7 =	smul.u32 $0xC35, s30;
	s9 =	ssub.s32 s9, s12  }
0xb: {  	s10 =	sadd.s32 s31, s12;
	s12 =	simm.s32 $0x1;
	s8 =	smax.u32 s8, $0x1  }
.LBB2_9:
0xc: {  	s14 =	sadd.s32 $0x1, s14  }
0xd: {  	p0 =	sne.s32 s14, s8  }
.Ltmp1:
0xe: {  	_ = 	snop;
	(pc) =	sbr.rel @!p0 .LBB2_10-.Ltmp1, $1  }
0xf: {  	_ =	sdelay $0x3  }
.LBB2_1:
0x10: {  	[tilespmem:s11], [sflag:$0x1] =	stream.linear.gather [hbm4b:s4+s2], $0x4000, $0x38;
	[tilespmem:$0xBD80] =	vst v63  }
0x11: {  	_ =	swait.ge [sflag:s12], $0x4000  }
0x12: {  	[sflag:s12] =	ssyncset.done $0x0  }
.Ltmp2:
0x13: {  	[sflag:s12] =	ssyncadd.s32 $0xFFFFC000;
	(pc) =	sbr.rel .LBB2_2-.Ltmp2, $4  }
0x14: {  	[tilespmem:s13], [sflag:$0x1] =	stream.linear.gather [hbm4b:s5+s2], $0x80, $0x38;
	[tilespmem:$0xBD80] =	vst v63  }
0x15: {  	_ =	swait.ge [sflag:s12], $0x80  }
0x16: {  	s15 =	smov.u32 s10;
	[sflag:s12] =	ssyncset.done $0x0  }
0x17: {  	s16 =	smov.u32 s9;
	s17 =	simm.s32 $0x0;
	[sflag:s12] =	ssyncadd.s32 $0xFFFFFF80  }
.LBB2_8:
0x18: {  	s17 =	sadd.s32 $0x1, s17  }
0x19: {  	p0 =	sne.s32 s17, $0x19  }
.Ltmp3:
0x1a: {  	s18 =	sadd.s32 s6, s18;
	(pc) =	sbr.rel @!p0 .LBB2_9-.Ltmp3, $4  }
0x1b: {  	[hbm4b:s18+s2] =	stream.linear.scatter [tilespmem:s2], [sflag:$0x1], $0x7D00, $0x38;
	[tilespmem:$0xBD80] =	vst v63  }
0x1c: {  	_ =	swait.ge [sflag:s12], $0x7D00  }
0x1d: {  	[sflag:s12] =	ssyncset.done $0x0  }
0x1e: {  	s16 =	sadd.s32 $0xFFFFFF83, s16;
	s15 =	sadd.s32 $0x7D, s15;
	[sflag:s12] =	ssyncadd.s32 $0xFFFF8300  }
.LBB2_2:
0x1f: {  	s18 =	smul.u32 $0x7D, s17;
	_ =	sdelay $0x1  }
0x20: {  	s19 =	sadd.s32 s7, s18  }
0x21: {  	s18 =	sshll.u32 s19, $0x5  }
.Ltmp4:
0x22: {  	s20 =	simm.s32 $0x0;
	s21 =	sadd.s32 s1, s18;
	(pc) =	sbr.rel .LBB2_3-.Ltmp4, $4  }
0x23: {  	[tilespmem:s20], [sflag:$0x1] =	stream.linear.gather [hbm4b:s21+s20], $0x7D00, $0x38;
	[tilespmem:$0xBD80] =	vst v63  }
0x24: {  	_ =	swait.ge [sflag:s12], $0x7D00  }
0x25: {  	[sflag:s12] =	ssyncset.done $0x0  }
0x26: {  	s21 =	sadd.s32 $0x7D, s19;
	[sflag:s12] =	ssyncadd.s32 $0xFFFF8300  }
.LBB2_6:
0x27: {  	[tilespmem:s22+$0x20] =	vst v21;
	v1 =	vmul.f32 v16, v11  }
0x28: {  	[tilespmem:s22+$0x30] =	vst v22;
	v2 =	vmul.f32 v17, v12  }
0x29: {  	v62 =	vmul.f32 v18, v13;
	[tilespmem:s22+$0x40] =	vst v1  }
0x2a: {  	v63 =	vmul.f32 v20, v14;
	[tilespmem:s22+$0x50] =	vst v2  }
0x2b: {  	v0 =	vmul.f32 v19, v0;
	[tilespmem:s22+$0x60] =	vst v62  }
0x2c: {  	[tilespmem:s22+$0x70] =	vst v63  }
0x2d: {  	[tilespmem:s22+$0xFFFFFFF0] =	vst v0  }
.LBB2_7:
0x2e: {  	s20 =	sadd.s32 $0x1, s20  }
0x2f: {  	p0 =	sne.s32 s20, $0x40  }
.Ltmp5:
0x30: {  	_ = 	snop;
	(pc) =	sbr.rel @!p0 .LBB2_8-.Ltmp5, $1  }
0x31: {  	_ =	sdelay $0x3  }
.LBB2_3:
0x32: {  	v0 =	vld [tilespmem:s20+$0xBD00];
	_ =	sdelay $0x4  }
0x33: {  	(v2sf) =	vpush v0, $0x0  }
0x34: {  	(v2sf) =	vpush v0, $0x1;
	_ =	sdelay $0xd  }
0x35: {  	s22 =	spop (v2sf)  }
0x36: {  	s24 =	smov.u32 s19;
	s25 =	spop (v2sf)  }
0x37: {  	s23 =	smov.u32 s21;
	p0 =	sgt.s32 s22, s19;
	p1 =	slt.s32 s25, s21  }
0x38: {  	s24 =	smov.u32 @p0 s22;
	s23 =	smov.u32 @p1 s25  }
0x39: {  	p0 =	sge.s32 s24, s23  }
.Ltmp6:
0x3a: {  	_ = 	snop;
	(pc) =	sbr.rel @p0 .LBB2_7-.Ltmp6, $1  }
0x3b: {  	_ =	sdelay $0x3  }
0x3c: {  	s25 =	sshll.u32 s20, $0x8  }
0x3d: {  	s25 =	sand.u32 $0x3FFFFF00, s25  }
0x3e: {  	v1 =	vld [tilespmem:s25+$0x7D00]  }
0x3f: {  	v2 =	vld [tilespmem:s25+$0x7D10]  }
0x40: {  	v3 =	vld [tilespmem:s25+$0x7D20]  }
0x41: {  	v4 =	vld [tilespmem:s25+$0x7D30]  }
0x42: {  	v5 =	vld [tilespmem:s25+$0x7D40]  }
0x43: {  	v6 =	vld [tilespmem:s25+$0x7D50]  }
0x44: {  	v7 =	vld [tilespmem:s25+$0x7D60]  }
0x45: {  	v0 =	vld [tilespmem:s25+$0x7D70]  }
0x46: {  	v8 =	vld [tilespmem:s25+$0x7D80]  }
0x47: {  	v9 =	vld [tilespmem:s25+$0x7D90]  }
0x48: {  	p0 =	sgt.s32 s22, s15;
	s26 =	smov.u32 s15;
	v10 =	vld [tilespmem:s25+$0x7DA0]  }
0x49: {  	s26 =	smov.u32 @p0 s22;
	v15 =	vld [tilespmem:s25+$0x7DB0]  }
0x4a: {  	v11 =	vld [tilespmem:s25+$0x7DC0];
	s22 =	sadd.s32 s26, s16  }
0x4b: {  	v12 =	vld [tilespmem:s25+$0x7DD0];
	s22 =	sshll.u32 s22, $0xA  }
0x4c: {  	v13 =	vld [tilespmem:s25+$0x7DE0];
	s22 =	sshra.s32 s22, $0x2  }
0x4d: {  	v14 =	vld [tilespmem:s25+$0x7DF0];
	s22 =	sor.u32 $0x80, s22  }
0x4e: {  	v16 =	vld [tilespmem:s22+$0xFFFFFF80]  }
0x4f: {  	v17 =	vld [tilespmem:s22+$0xFFFFFF90]  }
0x50: {  	v18 =	vld [tilespmem:s22+$0xFFFFFFA0]  }
0x51: {  	v19 =	vld [tilespmem:s22+$0xFFFFFFB0]  }
0x52: {  	v20 =	vld [tilespmem:s22+$0xFFFFFFC0]  }
0x53: {  	v21 =	vld [tilespmem:s22+$0xFFFFFFD0];
	v16 =	vmul.f32 v16, v1  }
0x54: {  	v22 =	vld [tilespmem:s22+$0xFFFFFFE0];
	v17 =	vmul.f32 v17, v2  }
0x55: {  	[tilespmem:s22+$0xFFFFFF80] =	vst v16;
	v16 =	vmul.f32 v18, v3;
	v18 =	vld [tilespmem:s22+$0x0]  }
0x56: {  	s24 =	ssub.s32 s24, s19;
	[tilespmem:s22+$0xFFFFFF90] =	vst v17;
	v17 =	vmul.f32 v19, v4;
	v19 =	vld [tilespmem:s22+$0x10]  }
0x57: {  	s23 =	ssub.s32 s23, s19;
	s24 =	sadd.s32 $0x1, s24;
	[tilespmem:s22+$0xFFFFFFA0] =	vst v16;
	v16 =	vmul.f32 v20, v5;
	v20 =	vld [tilespmem:s22+$0x20]  }
0x58: {  	p0 =	slt.s32 s24, s23;
	v23 =	vld [tilespmem:s22+$0x30];
	[tilespmem:s22+$0xFFFFFFB0] =	vst v17;
	v17 =	vmul.f32 v21, v6  }
.Ltmp7:
0x59: {  	v21 =	vmul.f32 v22, v7;
	[tilespmem:s22+$0xFFFFFFC0] =	vst v16;
	v16 =	vld [tilespmem:s22+$0x40];
	(pc) =	sbr.rel @!p0 .LBB2_6-.Ltmp7, $4  }
0x5a: {  	[tilespmem:s22+$0xFFFFFFD0] =	vst v17;
	v17 =	vld [tilespmem:s22+$0x50];
	v22 =	vmul.f32 v18, v8  }
0x5b: {  	[tilespmem:s22+$0xFFFFFFE0] =	vst v21;
	v24 =	vmul.f32 v19, v9;
	v18 =	vld [tilespmem:s22+$0x60]  }
0x5c: {  	[tilespmem:s22+$0x0] =	vst v22;
	v21 =	vmul.f32 v20, v10;
	v20 =	vld [tilespmem:s22+$0x70]  }
0x5d: {  	s25 =	sadd.s32 $0x100, s22;
	v19 =	vld [tilespmem:s22+$0xFFFFFFF0];
	[tilespmem:s22+$0x10] =	vst v24;
	v22 =	vmul.f32 v23, v15  }
.LBB2_5:
0x5e: {  	v23 =	vld [tilespmem:s25+$0xFFFFFF80];
	[tilespmem:s22+$0x20] =	vst v21;
	v16 =	vmul.f32 v16, v11  }
0x5f: {  	v17 =	vmul.f32 v17, v12;
	v21 =	vld [tilespmem:s25+$0xFFFFFF90];
	[tilespmem:s22+$0x30] =	vst v22  }
0x60: {  	v22 =	vld [tilespmem:s25+$0xFFFFFFA0];
	[tilespmem:s22+$0x40] =	vst v16;
	v16 =	vmul.f32 v18, v13  }
0x61: {  	v18 =	vld [tilespmem:s25+$0xFFFFFFB0];
	[tilespmem:s22+$0x50] =	vst v17;
	v17 =	vmul.f32 v20, v14  }
0x62: {  	v19 =	vmul.f32 v19, v0;
	v20 =	vld [tilespmem:s25+$0xFFFFFFC0];
	[tilespmem:s22+$0x60] =	vst v16  }
0x63: {  	v16 =	vmul.f32 v23, v1;
	v23 =	vld [tilespmem:s25+$0xFFFFFFD0];
	[tilespmem:s22+$0x70] =	vst v17  }
0x64: {  	v17 =	vmul.f32 v21, v2;
	v21 =	vld [tilespmem:s25+$0xFFFFFFE0];
	[tilespmem:s22+$0xFFFFFFF0] =	vst v19;
	s22 =	smov.u32 s25  }
0x65: {  	[tilespmem:s25+$0xFFFFFF80] =	vst v16;
	v16 =	vmul.f32 v22, v3;
	v19 =	vld [tilespmem:s25+$0x0]  }
0x66: {  	[tilespmem:s25+$0xFFFFFF90] =	vst v17;
	v17 =	vmul.f32 v18, v4;
	v18 =	vld [tilespmem:s25+$0x10]  }
0x67: {  	s24 =	sadd.s32 $0x1, s24;
	[tilespmem:s25+$0xFFFFFFA0] =	vst v16;
	v16 =	vmul.f32 v20, v5;
	v20 =	vld [tilespmem:s25+$0x20]  }
0x68: {  	p0 =	slt.s32 s24, s23;
	[tilespmem:s25+$0xFFFFFFB0] =	vst v17;
	v17 =	vmul.f32 v23, v6;
	v22 =	vld [tilespmem:s25+$0x30]  }
.Ltmp8:
0x69: {  	[tilespmem:s25+$0xFFFFFFC0] =	vst v16;
	v21 =	vmul.f32 v21, v7;
	v16 =	vld [tilespmem:s25+$0x40];
	(pc) =	sbr.rel @p0 .LBB2_5-.Ltmp8, $4  }
0x6a: {  	[tilespmem:s25+$0xFFFFFFD0] =	vst v17;
	v19 =	vmul.f32 v19, v8;
	v17 =	vld [tilespmem:s25+$0x50]  }
0x6b: {  	[tilespmem:s25+$0xFFFFFFE0] =	vst v21;
	v23 =	vmul.f32 v18, v9;
	v18 =	vld [tilespmem:s25+$0x60]  }
0x6c: {  	[tilespmem:s25+$0x0] =	vst v19;
	v21 =	vmul.f32 v20, v10;
	v20 =	vld [tilespmem:s25+$0x70]  }
0x6d: {  	s25 =	sadd.s32 $0x100, s25;
	v19 =	vld [tilespmem:s22+$0xFFFFFFF0];
	[tilespmem:s22+$0x10] =	vst v23;
	v22 =	vmul.f32 v22, v15  }
.Ltmp9:
0x6e: {  	_ = 	snop;
	(pc) =	sbr.rel .LBB2_6-.Ltmp9, $1  }
0x6f: {  	_ =	sdelay $0x3  }
.LBB2_10:
0x70: {  	_ =	sfence.sel $0x180000  }
0x71: {  	[bflag:$0x0] =	sbarrier.arrive $0xFFFF  }
0x72: {  	p0 =	sne.s32 s3, $0x0;
	_ =	strace $0x9000004D  }
0x73: {  	s0 =	sadd.s32 @!p0 $0x100000, s0;
	[bflag:$0x2] =	sbarrier.arrive $0xFFFF  }
0x74: {  	[sflag:s0] =	ssyncadd.tile.s32 @!p0 $0x1;
	_ =	shalt  }
.Lfunc_end2:
_tile_overlayer_lowered:
.L_overlay_start_2:
0x75: {  	(tag) =	ssettag $0x2  }
0x76: {  	s0 =	rddreg [dreg:$0x0];
	s2 =	stileid.u32  }
0x77: {  	s1 =	rddreg [dreg:$0x1];
	p0 =	sne.s32 s2, $0x0  }
0x78: {  	s3 =	rddreg [dreg:$0x2];
	[bflag:$0x3] =	sbarrier.arrive $0xFFFF;
	s2 =	simm.s32 @!p0 $0x1C01  }
0x79: {  	[timem:s3], [sflag:s2] =	dma.local @!p0 [hbm:s0], s1  }
0x7a: {  	s0 =	simm.s32 @!p0 $0x1  }
0x7b: {  	_ =	swait.ge @!p0 [sflag:s0], s1  }
0x7c: {  	s1 =	ssub.s32 @!p0 $0x0, s1;
	[sflag:s0] =	ssyncset.done @!p0 $0x0  }
0x7d: {  	[sflag:s0] =	ssyncadd.s32 @!p0 s1  }
0x7e: {  	[bflag:$0x3] =	sbarrier.arrive $0xFFFF  }
0x7f: {  	_ =	shalt  }

// kernel: sparse-core-data-format-call.cloned.1.call-start
scs
called_computation_lowered:
.L_overlay_start_0:
0x0: {  	s2 =	sld [smem:$0x3FD9]  }
0x1: {  	s3 =	sld [smem:$0x3FFE];
	_ =	sdelay $0x1  }
0x2: {  	s1 =	srdreg.scid  }
0x3: {  	s0 =	sand.u32 $0x1, s1  }
0x4: {  	s19 =	sshll.u32 s0, $0xA;
	s2 =	sadd.s32 s3, s2  }
0x5: {  	s2 =	sadd.s32 s2, s19  }
0x6: {  	[smem:$0x3FC4] =	sst s2  }
0x7: {  	_ = 	snop  }
0x8: {  	s2 =	sld [smem:$0x3FC9]  }
0x9: {  	s20 =	sld [smem:$0x3FD0];
	(tm) =	ssettm $0x1  }
0xa: {  	s4 =	sld [smem:$0x3FFB];
	_ =	sdelay $0x3  }
0xb: {  	_ =	strace s4  }
0xc: {  	s4 =	sld [smem:$0x3FFC];
	_ =	sdelay $0x3  }
0xd: {  	_ =	strace s4  }
0xe: {  	s4 =	sld [smem:$0x3FFD];
	_ =	sdelay $0x3  }
0xf: {  	_ =	strace s4  }
0x10: {  	_ =	strace $0x8FFFFFFF  }
0x11: {  	s21 =	sld [smem:$0x3FDB];
	_ =	sdelay $0x1  }
0x12: {  	s5 =	simm.s32 $_scs_section_size  }
0x13: {  	s6 =	simm.s32 $_size__tile_overlayer_lowered;
	s7 =	simm.s32 $_tile_overlayer_lowered  }
0x14: {  	s24 =	simm.s32 $0x1BFF;
	s23 =	sshll.u32 s7, $0x1;
	s4 =	sadd.s32 s5, s21  }
0x15: {  	s8 =	simm.s32 $0x0;
	s22 =	sshll.u32 s6, $0x1;
	s6 =	sadd.s32 s23, s4  }
0x16: {  	[timem:s8], [sflag:s24] =	dma.local [hbm:s6], s22  }
0x17: {  	_ =	swait.ge [sflag:s24], s22  }
0x18: {  	s5 =	ssub.s32 $0x0, s22;
	[sflag:s24] =	ssyncset.done $0x0  }
0x19: {  	[sflag:s24] =	ssyncadd.s32 s5;
	_ =	sdelay $0x1  }
0x1a: {  	s25 =	simm.s32 $0x1B8B  }
0x1b: {  	_ =	swait.ge [sflag:s25], $0x1  }
0x1c: {  	[sflag:s25] =	ssyncset.done $0x0  }
0x1d: {  	s26 =	simm.s32 $0x1B8E;
	[sflag:s25] =	ssyncadd.s32 $0xFFFFFFFF  }
0x1e: {  	s27 =	simm.s32 $execute0_lowered;
	[smem:$0x3FD2] =	sst s26  }
0x1f: {  	s5 =	sshll.u32 s27, $0x1;
	_ =	strace $0x80000046;
	[dreg:$0x1] =	wrdreg $0xFFFFFFFF  }
0x20: {  	s28 =	simm.s32 $_size_execute0_lowered;
	s4 =	sadd.s32 s4, s5;
	[dreg:$0x0] =	wrdreg $0x0  }
0x21: {  	s5 =	sshll.u32 s28, $0x1;
	[dreg:$0x2] =	wrdreg s4  }
0x22: {  	[dreg:$0x3] =	wrdreg s5  }
0x23: {  	[dreg:$0x4] =	wrdreg $0xC0  }
0x24: {  	_ =	task [dreg:s8], $0x5FFFF  }
0x25: {  	[dreg:$0x1] =	wrdreg $0xFFFFFFFF  }
0x26: {  	[dreg:$0x0] =	wrdreg $0x60  }
0x27: {  	[dreg:$0x2] =	wrdreg s2  }
0x28: {  	[dreg:$0x3] =	wrdreg s20  }
0x29: {  	[dreg:$0x4] =	wrdreg $0x9  }
0x2a: {  	_ =	task.clear_ibuf [dreg:s8], $0x5FFFF;
	_ =	strace $0x90000046  }
0x2b: {  	s29 =	simm.s32 $0x9;
	_ =	strace $0x80000048  }
0x2c: {  	_ =	swait.ge [sflag:s29], $0x1  }
0x2d: {  	[sflag:s29] =	ssyncadd.s32 $0xFFFFFFFF  }
0x2e: {  	_ =	strace $0x90000048  }
0x2f: {  	_ =	sfence  }
0x30: {  	s30 =	sld [smem:$0x0];
	_ =	sdelay $0x2  }
0x31: {  	s31 =	sshll.u32 s1, $0xD;
	s1 =	sshrl.u32 s1, $0x2  }
0x32: {  	s3 =	sand.u32 $0x4000, s31;
	s1 =	sadd.s32 s1, s30  }
0x33: {  	s0 =	sor.u32 s3, s0;
	s1 =	sshll.u32 s1, $0x11  }
0x34: {  	s0 =	sor.u32 s1, s0  }
0x35: {  	s0 =	sadd.s32 $0x8F2B, s0  }
0x36: {  	[sflag:s0] =	ssyncadd.remote.s32 $0x1  }
0x37: {  	_ =	sfence.sel $0xFFFF  }
0x38: {  	[dreg:$0x0] =	wrdreg $0xFFFFFFFF;
	(pc) =	sbr.abs _section_cstart, $3  }
0x39: {  	[dreg:$0x1] =	wrdreg $0xFFFFFFFF  }
0x3a: {  	_ =	task.clear_ibuf [dreg:s8], $0x2FFFF;
	_ =	strace $0x9FFFFFFF  }
0x3b: {  	(tm) =	ssettm $0x7FFFFFFF  }
tec
execute0_lowered:
.L_overlay_start_1:
0x0: {  	(tag) =	ssettag $0x1  }
0x1: {  	s2 =	rddreg [dreg:$0x0]  }
0x2: {  	s0 =	srdreg.scid;
	s3 =	rddreg [dreg:$0x1]  }
0x3: {  	s1 =	stileid.u32;
	s5 =	simm.s32 $0x1;
	s0 =	sshll.u32 s0, $0x4  }
0x4: {  	s6 =	simm.s32 $0x2;
	s8 =	simm.s32 $0x0;
	s4 =	sand.u32 $0x10, s0  }
.Ltmp0:
0x5: {  	s9 =	simm.s32 $0x0;
	s4 =	sor.u32 s1, s4;
	(pc) =	sbr.rel .LBB1_1-.Ltmp0, $4  }
0x6: {  	s0 =	rddreg [dreg:$0x2];
	_ =	strace $0x80000047;
	s4 =	sshll.u32 s4, $0x3  }
0x7: {  	s13 =	simm.s32 $0x0;
	[sflag:s5] =	ssyncpa.u1 $0x0;
	s7 =	ssub.s32 $0x30D0, s4  }
0x8: {  	s10 =	simm.s32 $0x0;
	[sflag:s6] =	ssyncpa.u1 $0x0;
	s6 =	sshrl.u32 s7, $0x8  }
0x9: {  	s12 =	simm.s32 $0x0;
	s11 =	smov.u32 s4;
	s7 =	sadd.s32 $0x2, s6  }
.LBB1_9:
0xa: {  	s15 =	sshll.u32 s12, $0xE  }
0xb: {  	s16 =	sshll.u32 s10, $0x8;
	s15 =	sand.u32 $0x4000, s15  }
0xc: {  	s16 =	sadd.s32 s3, s16;
	s15 =	sor.u32 $0x8000, s15  }
0xd: {  	[hbm4b:s16+s8] =	stream.linear.scatter [tilespmem:s15], [sflag:$0x2], s14, $0x38;
	[tilespmem:$0x10000] =	vst v63  }
.LBB1_10:
0xe: {  	p0 =	slt.u32 s12, $0x2  }
0xf: {  	p1 =	sgt.s32 @!p0 s13, $0x30CC  }
0x10: {  	s14 =	smov.u32 s13;
	s15 =	sshra.s32 @!p0 s13, $0x1F;
	p1 =	por !p1, p0  }
0x11: {  	s13 =	sand.u32 @!p0 s15, s13;
	s14 =	simm.s32 @p1 $0x30CC  }
0x12: {  	s13 =	ssub.s32 @!p0 s14, s13  }
0x13: {  	s13 =	sadd.s32 @!p0 $0xFFFFCF34, s13  }
0x14: {  	s14 =	sshll.u32 @!p0 s13, $0xD  }
0x15: {  	p1 =	sgt.s32 @!p0 s13, $0x7;
	s13 =	ssub.s32 @!p0 $0x10000, s14  }
0x16: {  	s15 =	sadd.s32 $0x100, s11;
	p1 =	por !p1, p0;
	s13 =	sshrl.u32 @!p0 s13, $0x2  }
0x17: {  	s13 =	simm.s32 @!p1 $0x0;
	p1 =	sgt.s32 s15, $0x30D3  }
0x18: {  	s15 =	smov.u32 @p1 s4;
	p1 =	sne.s32 s12, s7  }
.Ltmp1:
0x19: {  	_ = 	snop;
	(pc) =	sbr.rel @!p1 .LBB1_11-.Ltmp1, $4  }
0x1a: {  	s14 =	simm.s32 @!p0 $0x2  }
0x1b: {  	s9 =	sadd.s32 $0x4000, s9;
	_ =	swait.ge @!p0 [sflag:s14], s13;
	s16 =	ssub.s32 @!p0 $0x0, s13  }
0x1c: {  	s13 =	smov.u32 s10;
	s12 =	sadd.s32 $0x1, s12;
	[sflag:s14] =	ssyncset.done @!p0 $0x0  }
0x1d: {  	s10 =	smov.u32 s11;
	s11 =	smov.u32 s15;
	[sflag:s14] =	ssyncadd.s32 @!p0 s16  }
.LBB1_1:
0x1e: {  	p0 =	sgt.u32 s12, s6  }
0x1f: {  	p1 =	sgt.s32 @!p0 s11, $0x30CC  }
0x20: {  	s14 =	smov.u32 s11;
	s15 =	sshra.s32 @!p0 s11, $0x1F;
	p1 =	por !p1, p0  }
0x21: {  	s15 =	sand.u32 @!p0 s15, s11;
	s14 =	simm.s32 @p1 $0x30CC  }
0x22: {  	s14 =	ssub.s32 @!p0 s14, s15  }
0x23: {  	s14 =	sadd.s32 @!p0 $0xFFFFCF34, s14  }
0x24: {  	s17 =	simm.s32 @!p0 $0x0;
	s15 =	sxor.u32 @!p0 $0xFFFFFFFF, s12;
	s16 =	sshll.u32 @!p0 s14, $0xD  }
0x25: {  	s15 =	sshll.u32 @!p0 s15, $0xE;
	p1 =	sgt.s32 @!p0 s14, $0x7;
	s14 =	ssub.s32 @!p0 $0x10000, s16  }
0x26: {  	p1 =	por !p1, p0;
	s16 =	sshll.u32 @!p0 s11, $0x8;
	s14 =	sshrl.u32 @!p0 s14, $0x2  }
0x27: {  	s15 =	sand.u32 @!p0 $0x4000, s15;
	s16 =	sadd.s32 @!p0 s2, s16;
	s14 =	simm.s32 @!p1 $0x0  }
0x28: {  	[tilespmem:s15], [sflag:$0x1] =	stream.linear.gather @!p0 [hbm4b:s16+s17], s14, $0x38;
	[tilespmem:$0x10000] =	vst v63  }
0x29: {  	p0 =	seq.s32 s12, $0x0  }
0x2a: {  	p1 =	sge.u32 @!p0 s12, s7  }
0x2b: {  	p0 =	por p0, p1  }
.Ltmp2:
0x2c: {  	_ = 	snop;
	(pc) =	sbr.rel @p0 .LBB1_10-.Ltmp2, $1  }
0x2d: {  	_ =	sdelay $0x3  }
0x2e: {  	p0 =	sgt.s32 s10, $0x30CC;
	s14 =	smov.u32 s10;
	s15 =	sshra.s32 s10, $0x1F  }
0x2f: {  	s14 =	simm.s32 @!p0 $0x30CC;
	s15 =	sand.u32 s15, s10  }
0x30: {  	s14 =	ssub.s32 s14, s15  }
0x31: {  	s16 =	sadd.s32 $0x8, s10;
	s14 =	sadd.s32 $0xFFFFCF34, s14  }
0x32: {  	p1 =	slt.s32 s16, $0x30D4;
	s30 =	sshll.u32 s14, $0xD  }
0x33: {  	s16 =	simm.s32 @!p1 $0x30D4;
	s15 =	ssub.s32 $0x10000, s30  }
0x34: {  	p0 =	sgt.s32 s14, $0x7;
	s14 =	sshrl.u32 s15, $0x2;
	s15 =	ssub.s32 s16, s10  }
0x35: {  	s14 =	simm.s32 @p0 $0x0;
	p0 =	slt.s32 s15, $0x1  }
.Ltmp3:
0x36: {  	_ = 	snop;
	(pc) =	sbr.rel @p0 .LBB1_9-.Ltmp3, $4  }
0x37: {  	_ = 	snop  }
0x38: {  	_ =	swait.ge [sflag:s5], s14  }
0x39: {  	s31 =	ssub.s32 $0x0, s14;
	[sflag:s5] =	ssyncset.done $0x0  }
0x3a: {  	[sflag:s5] =	ssyncadd.s32 s31  }
0x3b: {  	s16 =	sshll.u32 s9, $0x2  }
0x3c: {  	s16 =	sand.u32 $0x10000, s16  }
0x3d: {  	s16 =	sshrl.u32 s16, $0x2  }
0x3e: {  	s18 =	simm.s32 $0x0;
	s19 =	simm.s32 $0x0;
	s17 =	sor.u32 $0x8000, s16  }
.LBB1_4:
0x3f: {  	s20 =	sshra.s32 s18, $0x2  }
0x40: {  	v0 =	vmov s20;
	_ =	sdelay $0x3  }
0x41: {  	p1 =	por $0x1, $0x1;
	s20 =	simm.s32 $0x0  }
.LBB1_5:
0x42: {  	_ = 	snop  }
0x43: {  	s21 =	sshll.u32 s20, $0xA  }
0x44: {  	s21 =	sand.u32 $0x3FFFFC00, s21  }
0x45: {  	s21 =	sadd.s32 s21, s16  }
0x46: {  	v5 =	vld.idx.msk [tilespmem:v0+s21+$0x70 ss:$0x1], $0xffff  }
0x47: {  	v6 =	vld.idx.msk [tilespmem:v0+s21+$0x10 ss:$0x1], $0xffff  }
0x48: {  	v7 =	vld.idx.msk [tilespmem:v0+s21+$0x20 ss:$0x1], $0xffff  }
0x49: {  	s31 =	sshll.u32 s20, $0x7;
	v1 =	vld.idx.msk [tilespmem:v0+s21+$0x30 ss:$0x1], $0xffff  }
0x4a: {  	s20 =	sand.u32 $0x3FFFFF80, s31;
	v2 =	vld.idx.msk [tilespmem:v0+s21+$0x40 ss:$0x1], $0xffff  }
0x4b: {  	s20 =	sadd.s32 s20, s17;
	v3 =	vld.idx.msk [tilespmem:v0+s21+$0x50 ss:$0x1], $0xffff  }
0x4c: {  	v4 =	vld.idx.msk [tilespmem:v0+s21+$0x60 ss:$0x1], $0xffff;
	[tilespmem:v0+s20+$0x70 ss:$0x1] =	vst.idx.msk $0xffff, v5  }
0x4d: {  	v5 =	vld.idx.msk [tilespmem:v0+s21+$0x0 ss:$0x1], $0xffff;
	[tilespmem:v0+s20+$0x10 ss:$0x1] =	vst.idx.msk $0xffff, v6;
	s21 =	sadd.s32 $0x80, s21  }
0x4e: {  	p0 =	por p1, p1;
	s22 =	simm.s32 $0x6;
	[tilespmem:v0+s20+$0x20 ss:$0x1] =	vst.idx.msk $0xffff, v7;
	v6 =	vld.idx.msk [tilespmem:v0+s21+$0x70 ss:$0x1], $0xffff  }
.LBB1_6:
0x4f: {  	p1 =	sne.s32 s22, $0x1;
	v7 =	vld.idx.msk [tilespmem:v0+s21+$0x10 ss:$0x1], $0xffff;
	[tilespmem:v0+s20+$0x30 ss:$0x1] =	vst.idx.msk $0xffff, v1  }
0x50: {  	v8 =	vld.idx.msk [tilespmem:v0+s21+$0x20 ss:$0x1], $0xffff;
	[tilespmem:v0+s20+$0x40 ss:$0x1] =	vst.idx.msk $0xffff, v2  }
0x51: {  	v1 =	vld.idx.msk [tilespmem:v0+s21+$0x30 ss:$0x1], $0xffff;
	[tilespmem:v0+s20+$0x50 ss:$0x1] =	vst.idx.msk $0xffff, v3  }
.Ltmp4:
0x52: {  	v2 =	vld.idx.msk [tilespmem:v0+s21+$0x40 ss:$0x1], $0xffff;
	[tilespmem:v0+s20+$0x60 ss:$0x1] =	vst.idx.msk $0xffff, v4;
	(pc) =	sbr.rel @p1 .LBB1_6-.Ltmp4, $4  }
0x53: {  	v3 =	vld.idx.msk [tilespmem:v0+s21+$0x50 ss:$0x1], $0xffff;
	[tilespmem:v0+s20+$0x0 ss:$0x1] =	vst.idx.msk $0xffff, v5;
	s20 =	sadd.s32 $0x100, s20  }
0x54: {  	v4 =	vld.idx.msk [tilespmem:v0+s21+$0x60 ss:$0x1], $0xffff;
	[tilespmem:v0+s20+$0x70 ss:$0x1] =	vst.idx.msk $0xffff, v6  }
0x55: {  	v5 =	vld.idx.msk [tilespmem:v0+s21+$0x0 ss:$0x1], $0xffff;
	[tilespmem:v0+s20+$0x10 ss:$0x1] =	vst.idx.msk $0xffff, v7;
	s21 =	sadd.s32 $0x80, s21  }
0x56: {  	s22 =	sadd.s32 $0xFFFFFFFF, s22;
	v6 =	vld.idx.msk [tilespmem:v0+s21+$0x70 ss:$0x1], $0xffff;
	[tilespmem:v0+s20+$0x20 ss:$0x1] =	vst.idx.msk $0xffff, v8  }
0x57: {  	_ =	sdelay $0x3  }
0x58: {  	[tilespmem:v0+s20+$0x30 ss:$0x1] =	vst.idx.msk $0xffff, v1  }
0x59: {  	v1 =	vld.idx.msk [tilespmem:v0+s21+$0x10 ss:$0x1], $0xffff;
	[tilespmem:v0+s20+$0x40 ss:$0x1] =	vst.idx.msk $0xffff, v2  }
0x5a: {  	v2 =	vld.idx.msk [tilespmem:v0+s21+$0x20 ss:$0x1], $0xffff;
	[tilespmem:v0+s20+$0x50 ss:$0x1] =	vst.idx.msk $0xffff, v3  }
0x5b: {  	v61 =	vld.idx.msk [tilespmem:v0+s21+$0x40 ss:$0x1], $0xffff;
	[tilespmem:v0+s20+$0x60 ss:$0x1] =	vst.idx.msk $0xffff, v4  }
0x5c: {  	s31 =	sadd.s32 $0x100, s20;
	v62 =	vld.idx.msk [tilespmem:v0+s21+$0x50 ss:$0x1], $0xffff;
	[tilespmem:v0+s20+$0x0 ss:$0x1] =	vst.idx.msk $0xffff, v5  }
0x5d: {  	v63 =	vld.idx.msk [tilespmem:v0+s21+$0x60 ss:$0x1], $0xffff;
	[tilespmem:v0+s31+$0x70 ss:$0x1] =	vst.idx.msk $0xffff, v6  }
0x5e: {  	v3 =	vld.idx.msk [tilespmem:v0+s21+$0x30 ss:$0x1], $0xffff;
	[tilespmem:v0+s31+$0x10 ss:$0x1] =	vst.idx.msk $0xffff, v1  }
0x5f: {  	v1 =	vld.idx.msk [tilespmem:v0+s21+$0x0 ss:$0x1], $0xffff;
	[tilespmem:v0+s31+$0x20 ss:$0x1] =	vst.idx.msk $0xffff, v2  }
.Ltmp5:
0x60: {  	[tilespmem:v0+s31+$0x40 ss:$0x1] =	vst.idx.msk $0xffff, v61;
	(pc) =	sbr.rel @p0 .LBB1_5-.Ltmp5, $4  }
0x61: {  	[tilespmem:v0+s31+$0x50 ss:$0x1] =	vst.idx.msk $0xffff, v62  }
0x62: {  	[tilespmem:v0+s31+$0x60 ss:$0x1] =	vst.idx.msk $0xffff, v63  }
0x63: {  	[tilespmem:v0+s31+$0x30 ss:$0x1] =	vst.idx.msk $0xffff, v3  }
0x64: {  	p1 =	por $0x0, $0x0;
	s20 =	simm.s32 $0x1;
	[tilespmem:v0+s31+$0x0 ss:$0x1] =	vst.idx.msk $0xffff, v1  }
0x65: {  	s19 =	sadd.s32 $0x1, s19  }
0x66: {  	p0 =	sne.s32 s19, s15  }
.Ltmp6:
0x67: {  	_ = 	snop;
	(pc) =	sbr.rel @p0 .LBB1_4-.Ltmp6, $4  }
.Ltmp7:
0x68: {  	_ = 	snop;
	(pc) =	sbr.rel @!p0 .LBB1_9-.Ltmp7, $4  }
0x69: {  	_ = 	snop  }
0x6a: {  	_ = 	snop  }
0x6b: {  	s18 =	sadd.s32 $0x2000, s18  }
0x6c: {  	_ = 	snop  }
.LBB1_11:
0x6d: {  	_ =	sfence.sel $0x180000  }
0x6e: {  	s2 =	simm.s32 $0x1;
	[bflag:$0x0] =	sbarrier.arrive $0xFFFF  }
0x6f: {  	s31 =	simm.s32 $0x2;
	[sflag:s2] =	ssyncpa.u1 $0x1  }
0x70: {  	[sflag:s31] =	ssyncpa.u1 $0x1  }
0x71: {  	p0 =	sne.s32 s1, $0x0;
	_ =	strace $0x90000047  }
0x72: {  	s0 =	sadd.s32 @!p0 $0x100000, s0;
	[bflag:$0x2] =	sbarrier.arrive $0xFFFF  }
0x73: {  	[sflag:s0] =	ssyncadd.tile.s32 @!p0 $0x1;
	_ =	shalt  }
.Lfunc_end1:
_tile_overlayer_lowered:
.L_overlay_start_2:
0x74: {  	(tag) =	ssettag $0x2  }
0x75: {  	s0 =	rddreg [dreg:$0x0];
	s2 =	stileid.u32  }
0x76: {  	s1 =	rddreg [dreg:$0x1];
	p0 =	sne.s32 s2, $0x0  }
0x77: {  	s3 =	rddreg [dreg:$0x2];
	[bflag:$0x3] =	sbarrier.arrive $0xFFFF;
	s2 =	simm.s32 @!p0 $0x1C01  }
0x78: {  	[timem:s3], [sflag:s2] =	dma.local @!p0 [hbm:s0], s1  }
0x79: {  	s0 =	simm.s32 @!p0 $0x1  }
0x7a: {  	_ =	swait.ge @!p0 [sflag:s0], s1  }
0x7b: {  	s1 =	ssub.s32 @!p0 $0x0, s1;
	[sflag:s0] =	ssyncset.done @!p0 $0x0  }
0x7c: {  	[sflag:s0] =	ssyncadd.s32 @!p0 s1  }
0x7d: {  	[bflag:$0x3] =	sbarrier.arrive $0xFFFF  }
0x7e: {  	_ =	shalt  }

</sc_bundles>
